<compile_context>
chip_gen: v7x
topology: tpu7x:2x2x1
jax: 0.10.2.dev20260603
libtpu: 0.0.44.dev20260713+nightly
codegen_flags: <defaults>
</compile_context>

<pallas_src>
import functools

import jax
import jax.numpy as jnp
from jax import lax
from jax.experimental import pallas as pl
from jax.experimental.pallas import tpu as pltpu
from jax.experimental.pallas import tpu_sc as plsc

N = 10000
M = 32
ATOM = 128
NBR = 16
GROUPS = 8
E = N * M
ROWS = E // GROUPS
NW = 32
NPAD = 10240



BN = 2048
GRID_A = -(-N // BN)
NCOL = GRID_A * BN
E_SC = M * NCOL
TRASH = N


def _edge_scalar_body(fea_ref, idx_ref, w1_ref, w2_ref, b1c_ref, b2_ref,
                      s_ref, oidx_ref):
    rr = lax.broadcasted_iota(jnp.int32, (128, 128), 0) >> 4
    cc = lax.broadcasted_iota(jnp.int32, (128, 128), 1) >> 4
    w1T = jnp.transpose(w1_ref[...], (1, 0))
    row16 = jnp.concatenate([w1T] * 8, axis=1)
    w1t = jnp.concatenate([row16] * 8, axis=0)
    w1t = jnp.where(rr == cc, w1t, 0.0)
    w2cT = jnp.transpose(w2_ref[...], (1, 0))
    w2row = jnp.concatenate([w2cT] * 8, axis=1)
    w2s = jnp.broadcast_to(w2row, (GROUPS, 128))
    rr8 = lax.broadcasted_iota(jnp.int32, (GROUPS, 128), 0)
    cc8 = lax.broadcasted_iota(jnp.int32, (GROUPS, 128), 1) >> 4
    w2s = jnp.where(rr8 == cc8, w2s, 0.0)

    x = fea_ref[...].reshape(M * NBR, BN)
    rows = []
    for gp in range(4):
        xg = x[128 * gp:128 * (gp + 1), :]
        z = jnp.dot(w1t, xg, preferred_element_type=jnp.float32)
        z = z + b1c_ref[...]
        e = jnp.exp2(jnp.abs(z) * (-1.4426950408889634))
        hg = jnp.maximum(z, 0.0) + 0.6931471805599453 * jnp.log2(1.0 + e)
        rows.append(jnp.dot(w2s, hg, preferred_element_type=jnp.float32))
    s = jnp.concatenate(rows, axis=0) + b2_ref[0]

    g = pl.program_id(0)
    col = g * BN + lax.broadcasted_iota(jnp.int32, (M, BN), 1)
    idx2 = jnp.where(col < N, idx_ref[...], TRASH)

    s_ref[...] = jnp.stack(
        [s[:, 128 * t:128 * (t + 1)] for t in range(BN // 128)], axis=1)
    oidx_ref[...] = jnp.stack(
        [idx2[:, 128 * t:128 * (t + 1)] for t in range(BN // 128)], axis=1)


def _edge_scalars(fea_t, idx_t, w1, w2col, b1c, b2):
    bt = BN // 128
    return pl.pallas_call(
        _edge_scalar_body,
        grid=(GRID_A,),
        in_specs=[
            pl.BlockSpec((M, NBR, BN), lambda g: (0, 0, g)),
            pl.BlockSpec((M, BN), lambda g: (0, g)),
            pl.BlockSpec((NBR, NBR), lambda g: (0, 0)),
            pl.BlockSpec((NBR, 1), lambda g: (0, 0)),
            pl.BlockSpec((128, 1), lambda g: (0, 0)),
            pl.BlockSpec(memory_space=pltpu.SMEM),
        ],
        out_specs=[
            pl.BlockSpec((M, bt, 128), lambda g: (0, g, 0)),
            pl.BlockSpec((M, bt, 128), lambda g: (0, g, 0)),
        ],
        out_shape=[
            jax.ShapeDtypeStruct((M, NCOL // 128, 128), jnp.float32),
            jax.ShapeDtypeStruct((M, NCOL // 128, 128), jnp.int32),
        ],
    )(fea_t, idx_t, w1, w2col, b1c, b2)



E_PER_W = E_SC // NW
VECS_PER_W = E_PER_W // 16


def _sc_scatter(flat_idx, s_flat):
    mesh = plsc.VectorSubcoreMesh(core_axis_name="c", subcore_axis_name="s")

    @functools.partial(
        pl.kernel,
        mesh=mesh,
        out_type=[
            jax.ShapeDtypeStruct((NW, NPAD), jnp.float32),
            jax.ShapeDtypeStruct((NW, NPAD), jnp.float32),
        ],
        scratch_types=[
            pltpu.VMEM((E_PER_W,), jnp.int32),
            pltpu.VMEM((E_PER_W,), jnp.float32),
            pltpu.VMEM((NPAD,), jnp.float32),
            pltpu.VMEM((NPAD,), jnp.float32),
        ],
        compiler_params=pltpu.CompilerParams(needs_layout_passes=False),
    )
    def scatter_kernel(idx_hbm, s_hbm, osum_hbm, ocnt_hbm,
                       idx_v, s_v, sum_v, cnt_v):
        wid = lax.axis_index("s") * 2 + lax.axis_index("c")
        base = wid * E_PER_W
        pltpu.sync_copy(idx_hbm.at[pl.ds(base, E_PER_W)], idx_v)
        pltpu.sync_copy(s_hbm.at[pl.ds(base, E_PER_W)], s_v)

        zeros = jnp.zeros((16,), jnp.float32)

        @plsc.parallel_loop(0, NPAD // 16, unroll=8)
        def _(i):
            sum_v[pl.ds(i * 16, 16)] = zeros
            cnt_v[pl.ds(i * 16, 16)] = zeros

        ones = jnp.ones((16,), jnp.float32)

        @plsc.parallel_loop(0, VECS_PER_W, unroll=8)
        def _(i):
            idx16 = idx_v[pl.ds(i * 16, 16)]
            s16 = s_v[pl.ds(i * 16, 16)]
            plsc.addupdate_scatter(sum_v, [idx16], s16)
            plsc.addupdate_scatter(cnt_v, [idx16], ones)

        pltpu.sync_copy(sum_v, osum_hbm.at[wid])
        pltpu.sync_copy(cnt_v, ocnt_hbm.at[wid])

    return scatter_kernel(flat_idx, s_flat)



def _finish_body(sum_ref, cnt_ref, atom_ref, tpw_ref, out_ref):
    ssum = jnp.sum(sum_ref[...], axis=0)
    cnt = jnp.sum(cnt_ref[...], axis=0)
    mean = ssum / jnp.maximum(cnt, 1.0)
    scale = mean * (1.0 / jnp.sqrt(float(ATOM)))
    p = jnp.dot(atom_ref[...], tpw_ref[...], preferred_element_type=jnp.float32)
    out_ref[...] = p * scale[:, None]


def _finish(psum, pcnt, atom_fea, tp_w):
    BC = 2048
    grid = NPAD // BC
    return pl.pallas_call(
        _finish_body,
        grid=(grid,),
        in_specs=[
            pl.BlockSpec((NW, BC), lambda g: (0, g)),
            pl.BlockSpec((NW, BC), lambda g: (0, g)),
            pl.BlockSpec((BC, ATOM), lambda g: (g, 0)),
            pl.BlockSpec((ATOM, ATOM), lambda g: (0, 0)),
        ],
        out_specs=pl.BlockSpec((BC, ATOM), lambda g: (g, 0)),
        out_shape=jax.ShapeDtypeStruct((N, ATOM), jnp.float32),
    )(psum, pcnt, atom_fea, tp_w)



def kernel(atom_fea, nbr_fea, nbr_idx, pos, W1, b1, W2, b2, tp_w):
    del pos
    b1c = jnp.tile(b1, GROUPS)[:, None]

    fea_t = jnp.transpose(nbr_fea, (1, 2, 0))
    idx_t = jnp.transpose(nbr_idx.astype(jnp.int32), (1, 0))

    s3d, idx3d = _edge_scalars(fea_t, idx_t, W1, W2[:, 0:1], b1c, b2)
    s_flat = s3d.reshape(E_SC)
    flat_idx = idx3d.reshape(E_SC)
    psum, pcnt = _sc_scatter(flat_idx, s_flat)

    return _finish(psum, pcnt, atom_fea, tp_w)

# --- scband reference (transcript-rebuilt; emitter-appended) ---
"""Pipeline reference for scband-e3-conv-layer-17806934409755 (READ-ONLY COPY).

The authoritative reference and input builder live on the scoring server;
editing this copy changes nothing except your own understanding.
"""

import jax, jax.numpy as jnp
import numpy as np

N = 10000
M = 32
ATOM = 128  # atom_fea_len -> irreps_in = 128x0e
NBR = 16    # nbr_fea_len
SH_DIM = 9  # lmax=2 -> 1x0e + 1x1o + 1x2e = 1+3+5


def _spherical_harmonics_l2(vec):
    # e3nn-style real spherical harmonics up to l=2, component normalization,
    # normalize=True (inputs normalized to unit vectors).
    n2 = jnp.sum(vec * vec, axis=-1, keepdims=True)
    u = vec / jnp.sqrt(n2 + 1e-12)
    x, y, z = u[..., 0], u[..., 1], u[..., 2]
    sh0 = jnp.ones_like(x)
    c1 = jnp.sqrt(3.0)
    sh1_0, sh1_1, sh1_2 = c1 * x, c1 * y, c1 * z
    s15 = jnp.sqrt(15.0)
    s5 = jnp.sqrt(5.0)
    sh2_0 = s15 * x * z
    sh2_1 = s15 * x * y
    sh2_2 = s5 * (y * y - 0.5 * (x * x + z * z))
    sh2_3 = s15 * y * z
    sh2_4 = 0.5 * s15 * (z * z - x * x)
    return jnp.stack([sh0, sh1_0, sh1_1, sh1_2, sh2_0, sh2_1, sh2_2, sh2_3, sh2_4], axis=-1)


def setup_inputs(seed: int = 0) -> dict:
    key = jax.random.key(seed)
    ks = jax.random.split(key, 9)
    atom_fea = jax.random.normal(ks[0], (N, ATOM), dtype=jnp.float32)
    nbr_fea = jax.random.uniform(ks[1], (N, M, NBR), dtype=jnp.float32)
    nbr_idx = jax.random.randint(ks[2], (N, M), 0, N, dtype=jnp.int64 if jax.config.jax_enable_x64 else jnp.int32)
    pos = jax.random.normal(ks[3], (N, 3), dtype=jnp.float32)
    # radial MLP params: Linear(NBR,NBR) -> Softplus -> Linear(NBR,SH_DIM)
    W1 = jax.random.normal(ks[4], (NBR, NBR), dtype=jnp.float32) * (1.0 / np.sqrt(NBR))
    b1 = jnp.zeros((NBR,), dtype=jnp.float32)
    W2 = jax.random.normal(ks[5], (NBR, SH_DIM), dtype=jnp.float32) * (1.0 / np.sqrt(NBR))
    b2 = jnp.zeros((SH_DIM,), dtype=jnp.float32)
    # FullyConnectedTensorProduct(128x0e, 1x0e+1x1o+1x2e -> 128x0e):
    # only the 0e (x) 0e -> 0e path exists; weights [mul1=128, mul2=1, mul_out=128]
    tp_w = jax.random.normal(ks[6], (ATOM, ATOM), dtype=jnp.float32)
    return {"atom_fea": atom_fea, "nbr_fea": nbr_fea, "nbr_idx": nbr_idx, "pos": pos,
            "W1": W1, "b1": b1, "W2": W2, "b2": b2, "tp_w": tp_w}


def reference(atom_fea, nbr_fea, nbr_idx, pos, W1, b1, W2, b2, tp_w):
    n, m, _ = nbr_fea.shape
    flat_idx = nbr_idx.reshape(-1)                      # [N*M]
    neigh = jnp.take(atom_fea, flat_idx, axis=0)        # gather [N*M, ATOM]
    radial = nbr_fea.reshape(n * m, -1)                 # [N*M, NBR]
    idx_center = jnp.repeat(jnp.arange(n), m)           # [N*M]
    rel_vec = jnp.take(pos, flat_idx, axis=0) - jnp.take(pos, idx_center, axis=0)
    Y = _spherical_harmonics_l2(rel_vec)                # [N*M, 9]
    h = jax.nn.softplus(radial @ W1 + b1)
    R = h @ W2 + b2                                     # [N*M, 9]
    Wmix = Y * R                                        # [N*M, 9]
    # tensor product: only scalar (l=0) channel of Wmix couples to 0e output;
    # path normalization 1/sqrt(fan_in) with fan_in = mul1*mul2 = ATOM
    msg = (neigh @ tp_w) * Wmix[:, :1] / jnp.sqrt(float(ATOM))  # [N*M, ATOM]
    idx_i = flat_idx
    summed = jax.ops.segment_sum(msg, idx_i, num_segments=n)
    cnt = jax.ops.segment_sum(jnp.ones((n * m,), dtype=msg.dtype), idx_i, num_segments=n)
    out = summed / jnp.maximum(cnt, 1.0)[:, None]       # scatter-mean
    return out * 1.0  # scale = 1.0 ** 0.5

if __name__ == "__main__":
    import jax
    _d = setup_inputs()
    print(jax.jit(kernel)(*tuple(_d.values())))

</pallas_src>

<mosaic_0001>
#map = affine_map<(d0, d1) -> (0)>
#map1 = affine_map<(d0, d1) -> (0, 0)>
module attributes {stable_mosaic.version = 14 : i64} {
  func.func @scatter_kernel(%arg0: i32, %arg1: i32, %arg2: memref<327680xi32, #tpu.memory_space<hbm>>, %arg3: memref<327680xf32, #tpu.memory_space<hbm>>, %arg4: memref<32x10240xf32, #tpu.memory_space<hbm>>, %arg5: memref<32x10240xf32, #tpu.memory_space<hbm>>, %arg6: memref<10240xi32, #tpu.memory_space<vmem>>, %arg7: memref<10240xf32, #tpu.memory_space<vmem>>, %arg8: memref<10240xf32, #tpu.memory_space<vmem>>, %arg9: memref<10240xf32, #tpu.memory_space<vmem>>) attributes {dimension_semantics = [#tpu.dimension_semantics<core_parallel>, #tpu.dimension_semantics<subcore_parallel>], iteration_bounds = array<i64: 2, 16>, scalar_prefetch = 0 : i64, scratch_operands = 4 : i64, tpu.core_type = #tpu.core_type<sc_vector_subcore>, window_params = [{transform_indices = #map}, {transform_indices = #map}, {transform_indices = #map1}, {transform_indices = #map1}]} {
    %mul3A = arith.constant 2 : i32
    %mul3A_0 = arith.muli %arg1, %mul3A : i32
    %add3A = arith.addi %mul3A_0, %arg0 : i32
    %mul3A_1 = arith.constant 10240 : i32
    %mul3A_2 = arith.muli %add3A, %mul3A_1 : i32
    "tpu.region"() ({
      %run_scoped3A = tpu.sem_alloc : memref<!tpu.dma_semaphore, #tpu.memory_space<semaphore_mem>>
      %dma_start3A = tpu.memref_slice %arg2[%mul3A_2] : memref<327680xi32, #tpu.memory_space<hbm>> -> memref<10240xi32, #tpu.memory_space<hbm>>
      %dma_start3A_11 = tpu.memref_slice %arg2[%mul3A_2] : memref<327680xi32, #tpu.memory_space<hbm>> -> memref<10240xi32, #tpu.memory_space<hbm>>
      tpu.enqueue_dma source(%dma_start3A_11 : memref<10240xi32, #tpu.memory_space<hbm>>) target(%arg6 : memref<10240xi32, #tpu.memory_space<vmem>>) target_semaphore(%run_scoped3A : memref<!tpu.dma_semaphore, #tpu.memory_space<semaphore_mem>>)
      %dma_wait3A = tpu.memref_slice %arg2[%mul3A_2] : memref<327680xi32, #tpu.memory_space<hbm>> -> memref<10240xi32, #tpu.memory_space<hbm>>
      %dma_wait3A_12 = tpu.memref_slice %arg2[%mul3A_2] : memref<327680xi32, #tpu.memory_space<hbm>> -> memref<10240xi32, #tpu.memory_space<hbm>>
      tpu.wait_dma2 semaphore(%run_scoped3A : memref<!tpu.dma_semaphore, #tpu.memory_space<semaphore_mem>>) src(%dma_wait3A_12 : memref<10240xi32, #tpu.memory_space<hbm>>) dst(%arg6 : memref<10240xi32, #tpu.memory_space<vmem>>)
      tpu.yield
    }) : () -> ()
    "tpu.region"() ({
      %run_scoped3A = tpu.sem_alloc : memref<!tpu.dma_semaphore, #tpu.memory_space<semaphore_mem>>
      %dma_start3A = tpu.memref_slice %arg3[%mul3A_2] : memref<327680xf32, #tpu.memory_space<hbm>> -> memref<10240xf32, #tpu.memory_space<hbm>>
      %dma_start3A_11 = tpu.memref_slice %arg3[%mul3A_2] : memref<327680xf32, #tpu.memory_space<hbm>> -> memref<10240xf32, #tpu.memory_space<hbm>>
      tpu.enqueue_dma source(%dma_start3A_11 : memref<10240xf32, #tpu.memory_space<hbm>>) target(%arg7 : memref<10240xf32, #tpu.memory_space<vmem>>) target_semaphore(%run_scoped3A : memref<!tpu.dma_semaphore, #tpu.memory_space<semaphore_mem>>)
      %dma_wait3A = tpu.memref_slice %arg3[%mul3A_2] : memref<327680xf32, #tpu.memory_space<hbm>> -> memref<10240xf32, #tpu.memory_space<hbm>>
      %dma_wait3A_12 = tpu.memref_slice %arg3[%mul3A_2] : memref<327680xf32, #tpu.memory_space<hbm>> -> memref<10240xf32, #tpu.memory_space<hbm>>
      tpu.wait_dma2 semaphore(%run_scoped3A : memref<!tpu.dma_semaphore, #tpu.memory_space<semaphore_mem>>) src(%dma_wait3A_12 : memref<10240xf32, #tpu.memory_space<hbm>>) dst(%arg7 : memref<10240xf32, #tpu.memory_space<vmem>>)
      tpu.yield
    }) : () -> ()
    %broadcast_in_dim3A = arith.constant 0.000000e+00 : f32
    %broadcast_in_dim3A_3 = vector.broadcast %broadcast_in_dim3A : f32 to vector<16xf32>
    %parallel_loop3A = arith.constant 0 : i32
    %parallel_loop3A_4 = arith.constant 640 : i32
    %parallel_loop3A_5 = arith.constant 1 : i32
    scf.for %parallel_loop3A_11 = %parallel_loop3A to %parallel_loop3A_4 step %parallel_loop3A_5  : i32 {
      %parallel_loop3A_12 = arith.constant 16 : i32
      %parallel_loop3A_13 = arith.muli %parallel_loop3A_11, %parallel_loop3A_12 : i32
      %parallel_loop3A_14 = arith.index_cast %parallel_loop3A_13 : i32 to index
      %parallel_loop3A_15 = tpu.vector_load %arg8[%parallel_loop3A_14] {strides = array<i32>} : memref<10240xf32, #tpu.memory_space<vmem>>, vector<16xf32>,
      tpu.vector_store %arg8[%parallel_loop3A_14], %broadcast_in_dim3A_3 {strides = array<i32>} : memref<10240xf32, #tpu.memory_space<vmem>>, vector<16xf32>,
      %parallel_loop3A_16 = arith.constant 16 : i32
      %parallel_loop3A_17 = arith.muli %parallel_loop3A_11, %parallel_loop3A_16 : i32
      %parallel_loop3A_18 = arith.index_cast %parallel_loop3A_17 : i32 to index
      %parallel_loop3A_19 = tpu.vector_load %arg9[%parallel_loop3A_18] {strides = array<i32>} : memref<10240xf32, #tpu.memory_space<vmem>>, vector<16xf32>,
      tpu.vector_store %arg9[%parallel_loop3A_18], %broadcast_in_dim3A_3 {strides = array<i32>} : memref<10240xf32, #tpu.memory_space<vmem>>, vector<16xf32>,
    } {sc.loop_unroll_factor = 8 : i64, sc.parallel_access}
    %broadcast_in_dim3A_6 = arith.constant 1.000000e+00 : f32
    %broadcast_in_dim3A_7 = vector.broadcast %broadcast_in_dim3A_6 : f32 to vector<16xf32>
    %parallel_loop3A_8 = arith.constant 0 : i32
    %parallel_loop3A_9 = arith.constant 640 : i32
    %parallel_loop3A_10 = arith.constant 1 : i32
    scf.for %parallel_loop3A_11 = %parallel_loop3A_8 to %parallel_loop3A_9 step %parallel_loop3A_10  : i32 {
      %parallel_loop3A_12 = arith.constant 16 : i32
      %parallel_loop3A_13 = arith.muli %parallel_loop3A_11, %parallel_loop3A_12 : i32
      %parallel_loop3A_14 = arith.index_cast %parallel_loop3A_13 : i32 to index
      %parallel_loop3A_15 = tpu.vector_load %arg6[%parallel_loop3A_14] {strides = array<i32>} : memref<10240xi32, #tpu.memory_space<vmem>>, vector<16xi32>,
      %parallel_loop3A_16 = arith.constant 16 : i32
      %parallel_loop3A_17 = arith.muli %parallel_loop3A_11, %parallel_loop3A_16 : i32
      %parallel_loop3A_18 = arith.index_cast %parallel_loop3A_17 : i32 to index
      %parallel_loop3A_19 = tpu.vector_load %arg7[%parallel_loop3A_18] {strides = array<i32>} : memref<10240xf32, #tpu.memory_space<vmem>>, vector<16xf32>,
      tpu.vector_store_idx %arg8[%parallel_loop3A_15], %parallel_loop3A_19 {add = true} : memref<10240xf32, #tpu.memory_space<vmem>>[vector<16xi32>], vector<16xf32>,
      tpu.vector_store_idx %arg9[%parallel_loop3A_15], %broadcast_in_dim3A_7 {add = true} : memref<10240xf32, #tpu.memory_space<vmem>>[vector<16xi32>], vector<16xf32>,
    } {sc.loop_unroll_factor = 8 : i64, sc.parallel_access}
    "tpu.region"() ({
      %run_scoped3A = tpu.sem_alloc : memref<!tpu.dma_semaphore, #tpu.memory_space<semaphore_mem>>
      %dma_start3A = arith.constant 0 : i32
      %dma_start3A_11 = tpu.memref_slice %arg4[%add3A, %dma_start3A] : memref<32x10240xf32, #tpu.memory_space<hbm>> -> memref<1x10240xf32, #tpu.memory_space<hbm>>
      %dma_start3A_12 = tpu.memref_squeeze %dma_start3A_11 : memref<1x10240xf32, #tpu.memory_space<hbm>> -> memref<10240xf32, #tpu.memory_space<hbm>>
      %dma_start3A_13 = arith.constant 0 : i32
      %dma_start3A_14 = tpu.memref_slice %arg4[%add3A, %dma_start3A_13] : memref<32x10240xf32, #tpu.memory_space<hbm>> -> memref<1x10240xf32, #tpu.memory_space<hbm>>
      %dma_start3A_15 = tpu.memref_squeeze %dma_start3A_14 : memref<1x10240xf32, #tpu.memory_space<hbm>> -> memref<10240xf32, #tpu.memory_space<hbm>>
      tpu.enqueue_dma source(%arg8 : memref<10240xf32, #tpu.memory_space<vmem>>) target(%dma_start3A_15 : memref<10240xf32, #tpu.memory_space<hbm>>) target_semaphore(%run_scoped3A : memref<!tpu.dma_semaphore, #tpu.memory_space<semaphore_mem>>)
      %dma_wait3A = arith.constant 0 : i32
      %dma_wait3A_16 = tpu.memref_slice %arg4[%add3A, %dma_wait3A] : memref<32x10240xf32, #tpu.memory_space<hbm>> -> memref<1x10240xf32, #tpu.memory_space<hbm>>
      %dma_wait3A_17 = tpu.memref_squeeze %dma_wait3A_16 : memref<1x10240xf32, #tpu.memory_space<hbm>> -> memref<10240xf32, #tpu.memory_space<hbm>>
      %dma_wait3A_18 = arith.constant 0 : i32
      %dma_wait3A_19 = tpu.memref_slice %arg4[%add3A, %dma_wait3A_18] : memref<32x10240xf32, #tpu.memory_space<hbm>> -> memref<1x10240xf32, #tpu.memory_space<hbm>>
      %dma_wait3A_20 = tpu.memref_squeeze %dma_wait3A_19 : memref<1x10240xf32, #tpu.memory_space<hbm>> -> memref<10240xf32, #tpu.memory_space<hbm>>
      tpu.wait_dma2 semaphore(%run_scoped3A : memref<!tpu.dma_semaphore, #tpu.memory_space<semaphore_mem>>) src(%arg8 : memref<10240xf32, #tpu.memory_space<vmem>>) dst(%dma_wait3A_20 : memref<10240xf32, #tpu.memory_space<hbm>>)
      tpu.yield
    }) : () -> ()
    "tpu.region"() ({
      %run_scoped3A = tpu.sem_alloc : memref<!tpu.dma_semaphore, #tpu.memory_space<semaphore_mem>>
      %dma_start3A = arith.constant 0 : i32
      %dma_start3A_11 = tpu.memref_slice %arg5[%add3A, %dma_start3A] : memref<32x10240xf32, #tpu.memory_space<hbm>> -> memref<1x10240xf32, #tpu.memory_space<hbm>>
      %dma_start3A_12 = tpu.memref_squeeze %dma_start3A_11 : memref<1x10240xf32, #tpu.memory_space<hbm>> -> memref<10240xf32, #tpu.memory_space<hbm>>
      %dma_start3A_13 = arith.constant 0 : i32
      %dma_start3A_14 = tpu.memref_slice %arg5[%add3A, %dma_start3A_13] : memref<32x10240xf32, #tpu.memory_space<hbm>> -> memref<1x10240xf32, #tpu.memory_space<hbm>>
      %dma_start3A_15 = tpu.memref_squeeze %dma_start3A_14 : memref<1x10240xf32, #tpu.memory_space<hbm>> -> memref<10240xf32, #tpu.memory_space<hbm>>
      tpu.enqueue_dma source(%arg9 : memref<10240xf32, #tpu.memory_space<vmem>>) target(%dma_start3A_15 : memref<10240xf32, #tpu.memory_space<hbm>>) target_semaphore(%run_scoped3A : memref<!tpu.dma_semaphore, #tpu.memory_space<semaphore_mem>>)
      %dma_wait3A = arith.constant 0 : i32
      %dma_wait3A_16 = tpu.memref_slice %arg5[%add3A, %dma_wait3A] : memref<32x10240xf32, #tpu.memory_space<hbm>> -> memref<1x10240xf32, #tpu.memory_space<hbm>>
      %dma_wait3A_17 = tpu.memref_squeeze %dma_wait3A_16 : memref<1x10240xf32, #tpu.memory_space<hbm>> -> memref<10240xf32, #tpu.memory_space<hbm>>
      %dma_wait3A_18 = arith.constant 0 : i32
      %dma_wait3A_19 = tpu.memref_slice %arg5[%add3A, %dma_wait3A_18] : memref<32x10240xf32, #tpu.memory_space<hbm>> -> memref<1x10240xf32, #tpu.memory_space<hbm>>
      %dma_wait3A_20 = tpu.memref_squeeze %dma_wait3A_19 : memref<1x10240xf32, #tpu.memory_space<hbm>> -> memref<10240xf32, #tpu.memory_space<hbm>>
      tpu.wait_dma2 semaphore(%run_scoped3A : memref<!tpu.dma_semaphore, #tpu.memory_space<semaphore_mem>>) src(%arg9 : memref<10240xf32, #tpu.memory_space<vmem>>) dst(%dma_wait3A_20 : memref<10240xf32, #tpu.memory_space<hbm>>)
      tpu.yield
    }) : () -> ()
    return
  }
}

module attributes {stable_mosaic.version = 14 : i64} {
  func.func @_edge_scalar_body(%arg0: i32, %arg1: memref<32x16x2048xf32, #tpu.memory_space<vmem>>, %arg2: memref<32x2048xi32, #tpu.memory_space<vmem>>, %arg3: memref<16x16xf32, #tpu.memory_space<vmem>>, %arg4: memref<16x1xf32, #tpu.memory_space<vmem>>, %arg5: memref<128x1xf32, #tpu.memory_space<vmem>>, %arg6: memref<9xf32, #tpu.memory_space<smem>>, %arg7: memref<32x16x128xf32, #tpu.memory_space<vmem>>, %arg8: memref<32x16x128xi32, #tpu.memory_space<vmem>>) attributes {dimension_semantics = [#tpu.dimension_semantics<arbitrary>], iteration_bounds = array<i64: 5>, scalar_prefetch = 0 : i64, scratch_operands = 0 : i64, tpu.core_type = #tpu.core_type<tc>, window_params = [{transform_indices = @transform_0, window_bounds = array<i64: 32, 16, 2048>}, {transform_indices = @transform_1, window_bounds = array<i64: 32, 2048>}, {pipeline_mode = #tpu.pipeline_mode<synchronous>, transform_indices = @transform_2, window_bounds = array<i64: 16, 16>}, {pipeline_mode = #tpu.pipeline_mode<synchronous>, transform_indices = @transform_3, window_bounds = array<i64: 16, 1>}, {pipeline_mode = #tpu.pipeline_mode<synchronous>, transform_indices = @transform_4, window_bounds = array<i64: 128, 1>}, {transform_indices = @transform_5, window_bounds = array<i64: 9>}, {transform_indices = @transform_6, window_bounds = array<i64: 32, 16, 128>}, {transform_indices = @transform_7, window_bounds = array<i64: 32, 16, 128>}]} {
    %iota3A = tpu.iota {dimensions = array<i32: 0>} : vector<128x128xi32>
    %shift_right_arithmetic3A = arith.constant 4 : i32
    %shift_right_arithmetic3A_0 = vector.broadcast %shift_right_arithmetic3A : i32 to vector<128x128xi32>
    %shift_right_arithmetic3A_1 = arith.shrsi %iota3A, %shift_right_arithmetic3A_0 : vector<128x128xi32>
    %iota3A_2 = tpu.iota {dimensions = array<i32: 1>} : vector<128x128xi32>
    %shift_right_arithmetic3A_3 = arith.constant 4 : i32
    %shift_right_arithmetic3A_4 = vector.broadcast %shift_right_arithmetic3A_3 : i32 to vector<128x128xi32>
    %shift_right_arithmetic3A_5 = arith.shrsi %iota3A_2, %shift_right_arithmetic3A_4 : vector<128x128xi32>
    %get3A = arith.constant 0 : index
    %get3A_6 = arith.constant 0 : index
    %get3A_7 = vector.load %arg3[%get3A, %get3A_6] : memref<16x16xf32, #tpu.memory_space<vmem>>, vector<16x16xf32>
    %transpose3A = tpu.transpose %get3A_7, [1, 0] : vector<16x16xf32> -> vector<16x16xf32>
    %concatenate3A = tpu.concatenate %transpose3A, %transpose3A, %transpose3A, %transpose3A, %transpose3A, %transpose3A, %transpose3A, %transpose3A in 1 : vector<16x16xf32>, vector<16x16xf32>, vector<16x16xf32>, vector<16x16xf32>, vector<16x16xf32>, vector<16x16xf32>, vector<16x16xf32>, vector<16x16xf32> -> vector<16x128xf32>
    %concatenate3A_8 = tpu.concatenate %concatenate3A, %concatenate3A, %concatenate3A, %concatenate3A, %concatenate3A, %concatenate3A, %concatenate3A, %concatenate3A in 0 : vector<16x128xf32>, vector<16x128xf32>, vector<16x128xf32>, vector<16x128xf32>, vector<16x128xf32>, vector<16x128xf32>, vector<16x128xf32>, vector<16x128xf32> -> vector<128x128xf32>
    %eq3A = arith.cmpi eq, %shift_right_arithmetic3A_1, %shift_right_arithmetic3A_5 : vector<128x128xi32>
    %jit3A = arith.constant 0.000000e+00 : f32
    %broadcast_in_dim3A = vector.broadcast %jit3A : f32 to vector<128x128xf32>
    %select_n3A = arith.select %eq3A, %concatenate3A_8, %broadcast_in_dim3A : vector<128x128xi1>, vector<128x128xf32>
    %get3A_9 = arith.constant 0 : index
    %get3A_10 = arith.constant 0 : index
    %get3A_11 = vector.load %arg4[%get3A_9, %get3A_10] : memref<16x1xf32, #tpu.memory_space<vmem>>, vector<16x1xf32>
    %transpose3A_12 = tpu.transpose %get3A_11, [1, 0] : vector<16x1xf32> -> vector<1x16xf32>
    %concatenate3A_13 = tpu.concatenate %transpose3A_12, %transpose3A_12, %transpose3A_12, %transpose3A_12, %transpose3A_12, %transpose3A_12, %transpose3A_12, %transpose3A_12 in 1 : vector<1x16xf32>, vector<1x16xf32>, vector<1x16xf32>, vector<1x16xf32>, vector<1x16xf32>, vector<1x16xf32>, vector<1x16xf32>, vector<1x16xf32> -> vector<1x128xf32>
    %broadcast_in_dim3A_14 = vector.shape_cast %concatenate3A_13 : vector<1x128xf32> to vector<1x128xf32>
    %broadcast_in_dim3A_15 = vector.broadcast %broadcast_in_dim3A_14 : vector<1x128xf32> to vector<8x128xf32>
    %iota3A_16 = tpu.iota {dimensions = array<i32: 0>} : vector<8x128xi32>
    %iota3A_17 = tpu.iota {dimensions = array<i32: 1>} : vector<8x128xi32>
    %shift_right_arithmetic3A_18 = arith.constant 4 : i32
    %shift_right_arithmetic3A_19 = vector.broadcast %shift_right_arithmetic3A_18 : i32 to vector<8x128xi32>
    %shift_right_arithmetic3A_20 = arith.shrsi %iota3A_17, %shift_right_arithmetic3A_19 : vector<8x128xi32>
    %eq3A_21 = arith.cmpi eq, %iota3A_16, %shift_right_arithmetic3A_20 : vector<8x128xi32>
    %jit3A_22 = arith.constant 0.000000e+00 : f32
    %broadcast_in_dim3A_23 = vector.broadcast %jit3A_22 : f32 to vector<8x128xf32>
    %select_n3A_24 = arith.select %eq3A_21, %broadcast_in_dim3A_15, %broadcast_in_dim3A_23 : vector<8x128xi1>, vector<8x128xf32>
    %get3A_25 = arith.constant 0 : index
    %get3A_26 = arith.constant 0 : index
    %get3A_27 = arith.constant 0 : index
    %get3A_28 = vector.load %arg1[%get3A_25, %get3A_26, %get3A_27] : memref<32x16x2048xf32, #tpu.memory_space<vmem>>, vector<32x16x2048xf32>
    %reshape3A = vector.shape_cast %get3A_28 : vector<32x16x2048xf32> to vector<512x2048xf32>
    %slice3A = vector.extract_strided_slice %reshape3A {offsets = [0, 0], sizes = [128, 2048], strides = [1, 1]} : vector<512x2048xf32> to vector<128x2048xf32>
    %dot_general3A = arith.constant dense<0.000000e+00> : vector<128x2048xf32>
    %dot_general3A_29 = tpu.matmul %select_n3A, %slice3A, %dot_general3A {dimension_numbers = #tpu.dot_dimension_numbers<[1], [0], [0], [1], [0, 0, 1, 1], [], []>, transpose_lhs_hint = false} : vector<128x128xf32>, vector<128x2048xf32>, vector<128x2048xf32> -> vector<128x2048xf32>
    %get3A_30 = arith.constant 0 : index
    %get3A_31 = arith.constant 0 : index
    %get3A_32 = vector.load %arg5[%get3A_30, %get3A_31] : memref<128x1xf32, #tpu.memory_space<vmem>>, vector<128x1xf32>
    %add3A = vector.broadcast %get3A_32 : vector<128x1xf32> to vector<128x2048xf32>
    %add3A_33 = arith.addf %dot_general3A_29, %add3A : vector<128x2048xf32>
    %abs3A = math.absf %add3A_33 : vector<128x2048xf32>
    %mul3A = arith.constant -1.44269502 : f32
    %mul3A_34 = vector.broadcast %mul3A : f32 to vector<128x2048xf32>
    %mul3A_35 = arith.mulf %abs3A, %mul3A_34 : vector<128x2048xf32>
    %exp23A = math.exp2 %mul3A_35 : vector<128x2048xf32>
    %max3A = arith.constant 0.000000e+00 : f32
    %max3A_36 = vector.broadcast %max3A : f32 to vector<128x2048xf32>
    %max3A_37 = arith.maximumf %add3A_33, %max3A_36 : vector<128x2048xf32>
    %add3A_38 = arith.constant 1.000000e+00 : f32
    %add3A_39 = vector.broadcast %add3A_38 : f32 to vector<128x2048xf32>
    %add3A_40 = arith.addf %add3A_39, %exp23A : vector<128x2048xf32>
    %log3A = math.log %add3A_40 : vector<128x2048xf32>
    %log3A_41 = arith.constant 2.000000e+00 : f32
    %log3A_42 = math.log %log3A_41 : f32
    %div3A = vector.broadcast %log3A_42 : f32 to vector<128x2048xf32>
    %div3A_43 = arith.divf %log3A, %div3A : vector<128x2048xf32>
    %mul3A_44 = arith.constant 0.693147182 : f32
    %mul3A_45 = vector.broadcast %mul3A_44 : f32 to vector<128x2048xf32>
    %mul3A_46 = arith.mulf %mul3A_45, %div3A_43 : vector<128x2048xf32>
    %add3A_47 = arith.addf %max3A_37, %mul3A_46 : vector<128x2048xf32>
    %dot_general3A_48 = arith.constant dense<0.000000e+00> : vector<8x2048xf32>
    %dot_general3A_49 = tpu.matmul %select_n3A_24, %add3A_47, %dot_general3A_48 {dimension_numbers = #tpu.dot_dimension_numbers<[1], [0], [0], [1], [0, 0, 1, 1], [], []>, transpose_lhs_hint = false} : vector<8x128xf32>, vector<128x2048xf32>, vector<8x2048xf32> -> vector<8x2048xf32>
    %slice3A_50 = vector.extract_strided_slice %reshape3A {offsets = [128, 0], sizes = [128, 2048], strides = [1, 1]} : vector<512x2048xf32> to vector<128x2048xf32>
    %dot_general3A_51 = arith.constant dense<0.000000e+00> : vector<128x2048xf32>
    %dot_general3A_52 = tpu.matmul %select_n3A, %slice3A_50, %dot_general3A_51 {dimension_numbers = #tpu.dot_dimension_numbers<[1], [0], [0], [1], [0, 0, 1, 1], [], []>, transpose_lhs_hint = false} : vector<128x128xf32>, vector<128x2048xf32>, vector<128x2048xf32> -> vector<128x2048xf32>
    %get3A_53 = arith.constant 0 : index
    %get3A_54 = arith.constant 0 : index
    %get3A_55 = vector.load %arg5[%get3A_53, %get3A_54] : memref<128x1xf32, #tpu.memory_space<vmem>>, vector<128x1xf32>
    %add3A_56 = vector.broadcast %get3A_55 : vector<128x1xf32> to vector<128x2048xf32>
    %add3A_57 = arith.addf %dot_general3A_52, %add3A_56 : vector<128x2048xf32>
    %abs3A_58 = math.absf %add3A_57 : vector<128x2048xf32>
    %mul3A_59 = arith.constant -1.44269502 : f32
    %mul3A_60 = vector.broadcast %mul3A_59 : f32 to vector<128x2048xf32>
    %mul3A_61 = arith.mulf %abs3A_58, %mul3A_60 : vector<128x2048xf32>
    %exp23A_62 = math.exp2 %mul3A_61 : vector<128x2048xf32>
    %max3A_63 = arith.constant 0.000000e+00 : f32
    %max3A_64 = vector.broadcast %max3A_63 : f32 to vector<128x2048xf32>
    %max3A_65 = arith.maximumf %add3A_57, %max3A_64 : vector<128x2048xf32>
    %add3A_66 = arith.constant 1.000000e+00 : f32
    %add3A_67 = vector.broadcast %add3A_66 : f32 to vector<128x2048xf32>
    %add3A_68 = arith.addf %add3A_67, %exp23A_62 : vector<128x2048xf32>
    %log3A_69 = math.log %add3A_68 : vector<128x2048xf32>
    %log3A_70 = arith.constant 2.000000e+00 : f32
    %log3A_71 = math.log %log3A_70 : f32
    %div3A_72 = vector.broadcast %log3A_71 : f32 to vector<128x2048xf32>
    %div3A_73 = arith.divf %log3A_69, %div3A_72 : vector<128x2048xf32>
    %mul3A_74 = arith.constant 0.693147182 : f32
    %mul3A_75 = vector.broadcast %mul3A_74 : f32 to vector<128x2048xf32>
    %mul3A_76 = arith.mulf %mul3A_75, %div3A_73 : vector<128x2048xf32>
    %add3A_77 = arith.addf %max3A_65, %mul3A_76 : vector<128x2048xf32>
    %dot_general3A_78 = arith.constant dense<0.000000e+00> : vector<8x2048xf32>
    %dot_general3A_79 = tpu.matmul %select_n3A_24, %add3A_77, %dot_general3A_78 {dimension_numbers = #tpu.dot_dimension_numbers<[1], [0], [0], [1], [0, 0, 1, 1], [], []>, transpose_lhs_hint = false} : vector<8x128xf32>, vector<128x2048xf32>, vector<8x2048xf32> -> vector<8x2048xf32>
    %slice3A_80 = vector.extract_strided_slice %reshape3A {offsets = [256, 0], sizes = [128, 2048], strides = [1, 1]} : vector<512x2048xf32> to vector<128x2048xf32>
    %dot_general3A_81 = arith.constant dense<0.000000e+00> : vector<128x2048xf32>
    %dot_general3A_82 = tpu.matmul %select_n3A, %slice3A_80, %dot_general3A_81 {dimension_numbers = #tpu.dot_dimension_numbers<[1], [0], [0], [1], [0, 0, 1, 1], [], []>, transpose_lhs_hint = false} : vector<128x128xf32>, vector<128x2048xf32>, vector<128x2048xf32> -> vector<128x2048xf32>
    %get3A_83 = arith.constant 0 : index
    %get3A_84 = arith.constant 0 : index
    %get3A_85 = vector.load %arg5[%get3A_83, %get3A_84] : memref<128x1xf32, #tpu.memory_space<vmem>>, vector<128x1xf32>
    %add3A_86 = vector.broadcast %get3A_85 : vector<128x1xf32> to vector<128x2048xf32>
    %add3A_87 = arith.addf %dot_general3A_82, %add3A_86 : vector<128x2048xf32>
    %abs3A_88 = math.absf %add3A_87 : vector<128x2048xf32>
    %mul3A_89 = arith.constant -1.44269502 : f32
    %mul3A_90 = vector.broadcast %mul3A_89 : f32 to vector<128x2048xf32>
    %mul3A_91 = arith.mulf %abs3A_88, %mul3A_90 : vector<128x2048xf32>
    %exp23A_92 = math.exp2 %mul3A_91 : vector<128x2048xf32>
    %max3A_93 = arith.constant 0.000000e+00 : f32
    %max3A_94 = vector.broadcast %max3A_93 : f32 to vector<128x2048xf32>
    %max3A_95 = arith.maximumf %add3A_87, %max3A_94 : vector<128x2048xf32>
    %add3A_96 = arith.constant 1.000000e+00 : f32
    %add3A_97 = vector.broadcast %add3A_96 : f32 to vector<128x2048xf32>
    %add3A_98 = arith.addf %add3A_97, %exp23A_92 : vector<128x2048xf32>
    %log3A_99 = math.log %add3A_98 : vector<128x2048xf32>
    %log3A_100 = arith.constant 2.000000e+00 : f32
    %log3A_101 = math.log %log3A_100 : f32
    %div3A_102 = vector.broadcast %log3A_101 : f32 to vector<128x2048xf32>
    %div3A_103 = arith.divf %log3A_99, %div3A_102 : vector<128x2048xf32>
    %mul3A_104 = arith.constant 0.693147182 : f32
    %mul3A_105 = vector.broadcast %mul3A_104 : f32 to vector<128x2048xf32>
    %mul3A_106 = arith.mulf %mul3A_105, %div3A_103 : vector<128x2048xf32>
    %add3A_107 = arith.addf %max3A_95, %mul3A_106 : vector<128x2048xf32>
    %dot_general3A_108 = arith.constant dense<0.000000e+00> : vector<8x2048xf32>
    %dot_general3A_109 = tpu.matmul %select_n3A_24, %add3A_107, %dot_general3A_108 {dimension_numbers = #tpu.dot_dimension_numbers<[1], [0], [0], [1], [0, 0, 1, 1], [], []>, transpose_lhs_hint = false} : vector<8x128xf32>, vector<128x2048xf32>, vector<8x2048xf32> -> vector<8x2048xf32>
    %slice3A_110 = vector.extract_strided_slice %reshape3A {offsets = [384, 0], sizes = [128, 2048], strides = [1, 1]} : vector<512x2048xf32> to vector<128x2048xf32>
    %dot_general3A_111 = arith.constant dense<0.000000e+00> : vector<128x2048xf32>
    %dot_general3A_112 = tpu.matmul %select_n3A, %slice3A_110, %dot_general3A_111 {dimension_numbers = #tpu.dot_dimension_numbers<[1], [0], [0], [1], [0, 0, 1, 1], [], []>, transpose_lhs_hint = false} : vector<128x128xf32>, vector<128x2048xf32>, vector<128x2048xf32> -> vector<128x2048xf32>
    %get3A_113 = arith.constant 0 : index
    %get3A_114 = arith.constant 0 : index
    %get3A_115 = vector.load %arg5[%get3A_113, %get3A_114] : memref<128x1xf32, #tpu.memory_space<vmem>>, vector<128x1xf32>
    %add3A_116 = vector.broadcast %get3A_115 : vector<128x1xf32> to vector<128x2048xf32>
    %add3A_117 = arith.addf %dot_general3A_112, %add3A_116 : vector<128x2048xf32>
    %abs3A_118 = math.absf %add3A_117 : vector<128x2048xf32>
    %mul3A_119 = arith.constant -1.44269502 : f32
    %mul3A_120 = vector.broadcast %mul3A_119 : f32 to vector<128x2048xf32>
    %mul3A_121 = arith.mulf %abs3A_118, %mul3A_120 : vector<128x2048xf32>
    %exp23A_122 = math.exp2 %mul3A_121 : vector<128x2048xf32>
    %max3A_123 = arith.constant 0.000000e+00 : f32
    %max3A_124 = vector.broadcast %max3A_123 : f32 to vector<128x2048xf32>
    %max3A_125 = arith.maximumf %add3A_117, %max3A_124 : vector<128x2048xf32>
    %add3A_126 = arith.constant 1.000000e+00 : f32
    %add3A_127 = vector.broadcast %add3A_126 : f32 to vector<128x2048xf32>
    %add3A_128 = arith.addf %add3A_127, %exp23A_122 : vector<128x2048xf32>
    %log3A_129 = math.log %add3A_128 : vector<128x2048xf32>
    %log3A_130 = arith.constant 2.000000e+00 : f32
    %log3A_131 = math.log %log3A_130 : f32
    %div3A_132 = vector.broadcast %log3A_131 : f32 to vector<128x2048xf32>
    %div3A_133 = arith.divf %log3A_129, %div3A_132 : vector<128x2048xf32>
    %mul3A_134 = arith.constant 0.693147182 : f32
    %mul3A_135 = vector.broadcast %mul3A_134 : f32 to vector<128x2048xf32>
    %mul3A_136 = arith.mulf %mul3A_135, %div3A_133 : vector<128x2048xf32>
    %add3A_137 = arith.addf %max3A_125, %mul3A_136 : vector<128x2048xf32>
    %dot_general3A_138 = arith.constant dense<0.000000e+00> : vector<8x2048xf32>
    %dot_general3A_139 = tpu.matmul %select_n3A_24, %add3A_137, %dot_general3A_138 {dimension_numbers = #tpu.dot_dimension_numbers<[1], [0], [0], [1], [0, 0, 1, 1], [], []>, transpose_lhs_hint = false} : vector<8x128xf32>, vector<128x2048xf32>, vector<8x2048xf32> -> vector<8x2048xf32>
    %concatenate3A_140 = tpu.concatenate %dot_general3A_49, %dot_general3A_79, %dot_general3A_109, %dot_general3A_139 in 0 : vector<8x2048xf32>, vector<8x2048xf32>, vector<8x2048xf32>, vector<8x2048xf32> -> vector<32x2048xf32>
    %get3A_141 = arith.constant 0 : index
    %get3A_142 = memref.load %arg6[%get3A_141] : memref<9xf32, #tpu.memory_space<smem>>
    %add3A_143 = vector.broadcast %get3A_142 : f32 to vector<32x2048xf32>
    %add3A_144 = arith.addf %concatenate3A_140, %add3A_143 : vector<32x2048xf32>
    %mul3A_145 = arith.constant 2048 : i32
    %mul3A_146 = arith.muli %arg0, %mul3A_145 : i32
    %iota3A_147 = tpu.iota {dimensions = array<i32: 1>} : vector<32x2048xi32>
    %add3A_148 = vector.broadcast %mul3A_146 : i32 to vector<32x2048xi32>
    %add3A_149 = arith.addi %add3A_148, %iota3A_147 : vector<32x2048xi32>
    %lt3A = arith.constant 10000 : i32
    %lt3A_150 = vector.broadcast %lt3A : i32 to vector<32x2048xi32>
    %lt3A_151 = arith.cmpi slt, %add3A_149, %lt3A_150 : vector<32x2048xi32>
    %get3A_152 = arith.constant 0 : index
    %get3A_153 = arith.constant 0 : index
    %get3A_154 = vector.load %arg2[%get3A_152, %get3A_153] : memref<32x2048xi32, #tpu.memory_space<vmem>>, vector<32x2048xi32>
    %jit3A_155 = arith.constant 10000 : i32
    %broadcast_in_dim3A_156 = vector.broadcast %jit3A_155 : i32 to vector<32x2048xi32>
    %select_n3A_157 = arith.select %lt3A_151, %get3A_154, %broadcast_in_dim3A_156 : vector<32x2048xi1>, vector<32x2048xi32>
    %slice3A_158 = vector.extract_strided_slice %add3A_144 {offsets = [0, 0], sizes = [32, 128], strides = [1, 1]} : vector<32x2048xf32> to vector<32x128xf32>
    %slice3A_159 = vector.extract_strided_slice %add3A_144 {offsets = [0, 128], sizes = [32, 128], strides = [1, 1]} : vector<32x2048xf32> to vector<32x128xf32>
    %slice3A_160 = vector.extract_strided_slice %add3A_144 {offsets = [0, 256], sizes = [32, 128], strides = [1, 1]} : vector<32x2048xf32> to vector<32x128xf32>
    %slice3A_161 = vector.extract_strided_slice %add3A_144 {offsets = [0, 384], sizes = [32, 128], strides = [1, 1]} : vector<32x2048xf32> to vector<32x128xf32>
    %slice3A_162 = vector.extract_strided_slice %add3A_144 {offsets = [0, 512], sizes = [32, 128], strides = [1, 1]} : vector<32x2048xf32> to vector<32x128xf32>
    %slice3A_163 = vector.extract_strided_slice %add3A_144 {offsets = [0, 640], sizes = [32, 128], strides = [1, 1]} : vector<32x2048xf32> to vector<32x128xf32>
    %slice3A_164 = vector.extract_strided_slice %add3A_144 {offsets = [0, 768], sizes = [32, 128], strides = [1, 1]} : vector<32x2048xf32> to vector<32x128xf32>
    %slice3A_165 = vector.extract_strided_slice %add3A_144 {offsets = [0, 896], sizes = [32, 128], strides = [1, 1]} : vector<32x2048xf32> to vector<32x128xf32>
    %slice3A_166 = vector.extract_strided_slice %add3A_144 {offsets = [0, 1024], sizes = [32, 128], strides = [1, 1]} : vector<32x2048xf32> to vector<32x128xf32>
    %slice3A_167 = vector.extract_strided_slice %add3A_144 {offsets = [0, 1152], sizes = [32, 128], strides = [1, 1]} : vector<32x2048xf32> to vector<32x128xf32>
    %slice3A_168 = vector.extract_strided_slice %add3A_144 {offsets = [0, 1280], sizes = [32, 128], strides = [1, 1]} : vector<32x2048xf32> to vector<32x128xf32>
    %slice3A_169 = vector.extract_strided_slice %add3A_144 {offsets = [0, 1408], sizes = [32, 128], strides = [1, 1]} : vector<32x2048xf32> to vector<32x128xf32>
    %slice3A_170 = vector.extract_strided_slice %add3A_144 {offsets = [0, 1536], sizes = [32, 128], strides = [1, 1]} : vector<32x2048xf32> to vector<32x128xf32>
    %slice3A_171 = vector.extract_strided_slice %add3A_144 {offsets = [0, 1664], sizes = [32, 128], strides = [1, 1]} : vector<32x2048xf32> to vector<32x128xf32>
    %slice3A_172 = vector.extract_strided_slice %add3A_144 {offsets = [0, 1792], sizes = [32, 128], strides = [1, 1]} : vector<32x2048xf32> to vector<32x128xf32>
    %slice3A_173 = vector.extract_strided_slice %add3A_144 {offsets = [0, 1920], sizes = [32, 128], strides = [1, 1]} : vector<32x2048xf32> to vector<32x128xf32>
    %stack3A = vector.shape_cast %slice3A_158 : vector<32x128xf32> to vector<32x1x128xf32>
    %stack3A_174 = vector.shape_cast %slice3A_159 : vector<32x128xf32> to vector<32x1x128xf32>
    %stack3A_175 = vector.shape_cast %slice3A_160 : vector<32x128xf32> to vector<32x1x128xf32>
    %stack3A_176 = vector.shape_cast %slice3A_161 : vector<32x128xf32> to vector<32x1x128xf32>
    %stack3A_177 = vector.shape_cast %slice3A_162 : vector<32x128xf32> to vector<32x1x128xf32>
    %stack3A_178 = vector.shape_cast %slice3A_163 : vector<32x128xf32> to vector<32x1x128xf32>
    %stack3A_179 = vector.shape_cast %slice3A_164 : vector<32x128xf32> to vector<32x1x128xf32>
    %stack3A_180 = vector.shape_cast %slice3A_165 : vector<32x128xf32> to vector<32x1x128xf32>
    %stack3A_181 = vector.shape_cast %slice3A_166 : vector<32x128xf32> to vector<32x1x128xf32>
    %stack3A_182 = vector.shape_cast %slice3A_167 : vector<32x128xf32> to vector<32x1x128xf32>
    %stack3A_183 = vector.shape_cast %slice3A_168 : vector<32x128xf32> to vector<32x1x128xf32>
    %stack3A_184 = vector.shape_cast %slice3A_169 : vector<32x128xf32> to vector<32x1x128xf32>
    %stack3A_185 = vector.shape_cast %slice3A_170 : vector<32x128xf32> to vector<32x1x128xf32>
    %stack3A_186 = vector.shape_cast %slice3A_171 : vector<32x128xf32> to vector<32x1x128xf32>
    %stack3A_187 = vector.shape_cast %slice3A_172 : vector<32x128xf32> to vector<32x1x128xf32>
    %stack3A_188 = vector.shape_cast %slice3A_173 : vector<32x128xf32> to vector<32x1x128xf32>
    %stack3A_189 = tpu.concatenate %stack3A, %stack3A_174, %stack3A_175, %stack3A_176, %stack3A_177, %stack3A_178, %stack3A_179, %stack3A_180, %stack3A_181, %stack3A_182, %stack3A_183, %stack3A_184, %stack3A_185, %stack3A_186, %stack3A_187, %stack3A_188 in 1 : vector<32x1x128xf32>, vector<32x1x128xf32>, vector<32x1x128xf32>, vector<32x1x128xf32>, vector<32x1x128xf32>, vector<32x1x128xf32>, vector<32x1x128xf32>, vector<32x1x128xf32>, vector<32x1x128xf32>, vector<32x1x128xf32>, vector<32x1x128xf32>, vector<32x1x128xf32>, vector<32x1x128xf32>, vector<32x1x128xf32>, vector<32x1x128xf32>, vector<32x1x128xf32> -> vector<32x16x128xf32>
    %swap3A = arith.constant 0 : index
    %swap3A_190 = arith.constant 0 : index
    %swap3A_191 = arith.constant 0 : index
    %swap3A_192 = vector.load %arg7[%swap3A, %swap3A_190, %swap3A_191] : memref<32x16x128xf32, #tpu.memory_space<vmem>>, vector<32x16x128xf32>
    tpu.vector_store %arg7[%swap3A, %swap3A_190, %swap3A_191], %stack3A_189 {strides = array<i32>} : memref<32x16x128xf32, #tpu.memory_space<vmem>>, vector<32x16x128xf32>,
    %slice3A_193 = vector.extract_strided_slice %select_n3A_157 {offsets = [0, 0], sizes = [32, 128], strides = [1, 1]} : vector<32x2048xi32> to vector<32x128xi32>
    %slice3A_194 = vector.extract_strided_slice %select_n3A_157 {offsets = [0, 128], sizes = [32, 128], strides = [1, 1]} : vector<32x2048xi32> to vector<32x128xi32>
    %slice3A_195 = vector.extract_strided_slice %select_n3A_157 {offsets = [0, 256], sizes = [32, 128], strides = [1, 1]} : vector<32x2048xi32> to vector<32x128xi32>
    %slice3A_196 = vector.extract_strided_slice %select_n3A_157 {offsets = [0, 384], sizes = [32, 128], strides = [1, 1]} : vector<32x2048xi32> to vector<32x128xi32>
    %slice3A_197 = vector.extract_strided_slice %select_n3A_157 {offsets = [0, 512], sizes = [32, 128], strides = [1, 1]} : vector<32x2048xi32> to vector<32x128xi32>
    %slice3A_198 = vector.extract_strided_slice %select_n3A_157 {offsets = [0, 640], sizes = [32, 128], strides = [1, 1]} : vector<32x2048xi32> to vector<32x128xi32>
    %slice3A_199 = vector.extract_strided_slice %select_n3A_157 {offsets = [0, 768], sizes = [32, 128], strides = [1, 1]} : vector<32x2048xi32> to vector<32x128xi32>
    %slice3A_200 = vector.extract_strided_slice %select_n3A_157 {offsets = [0, 896], sizes = [32, 128], strides = [1, 1]} : vector<32x2048xi32> to vector<32x128xi32>
    %slice3A_201 = vector.extract_strided_slice %select_n3A_157 {offsets = [0, 1024], sizes = [32, 128], strides = [1, 1]} : vector<32x2048xi32> to vector<32x128xi32>
    %slice3A_202 = vector.extract_strided_slice %select_n3A_157 {offsets = [0, 1152], sizes = [32, 128], strides = [1, 1]} : vector<32x2048xi32> to vector<32x128xi32>
    %slice3A_203 = vector.extract_strided_slice %select_n3A_157 {offsets = [0, 1280], sizes = [32, 128], strides = [1, 1]} : vector<32x2048xi32> to vector<32x128xi32>
    %slice3A_204 = vector.extract_strided_slice %select_n3A_157 {offsets = [0, 1408], sizes = [32, 128], strides = [1, 1]} : vector<32x2048xi32> to vector<32x128xi32>
    %slice3A_205 = vector.extract_strided_slice %select_n3A_157 {offsets = [0, 1536], sizes = [32, 128], strides = [1, 1]} : vector<32x2048xi32> to vector<32x128xi32>
    %slice3A_206 = vector.extract_strided_slice %select_n3A_157 {offsets = [0, 1664], sizes = [32, 128], strides = [1, 1]} : vector<32x2048xi32> to vector<32x128xi32>
    %slice3A_207 = vector.extract_strided_slice %select_n3A_157 {offsets = [0, 1792], sizes = [32, 128], strides = [1, 1]} : vector<32x2048xi32> to vector<32x128xi32>
    %slice3A_208 = vector.extract_strided_slice %select_n3A_157 {offsets = [0, 1920], sizes = [32, 128], strides = [1, 1]} : vector<32x2048xi32> to vector<32x128xi32>
    %stack3A_209 = vector.shape_cast %slice3A_193 : vector<32x128xi32> to vector<32x1x128xi32>
    %stack3A_210 = vector.shape_cast %slice3A_194 : vector<32x128xi32> to vector<32x1x128xi32>
    %stack3A_211 = vector.shape_cast %slice3A_195 : vector<32x128xi32> to vector<32x1x128xi32>
    %stack3A_212 = vector.shape_cast %slice3A_196 : vector<32x128xi32> to vector<32x1x128xi32>
    %stack3A_213 = vector.shape_cast %slice3A_197 : vector<32x128xi32> to vector<32x1x128xi32>
    %stack3A_214 = vector.shape_cast %slice3A_198 : vector<32x128xi32> to vector<32x1x128xi32>
    %stack3A_215 = vector.shape_cast %slice3A_199 : vector<32x128xi32> to vector<32x1x128xi32>
    %stack3A_216 = vector.shape_cast %slice3A_200 : vector<32x128xi32> to vector<32x1x128xi32>
    %stack3A_217 = vector.shape_cast %slice3A_201 : vector<32x128xi32> to vector<32x1x128xi32>
    %stack3A_218 = vector.shape_cast %slice3A_202 : vector<32x128xi32> to vector<32x1x128xi32>
    %stack3A_219 = vector.shape_cast %slice3A_203 : vector<32x128xi32> to vector<32x1x128xi32>
    %stack3A_220 = vector.shape_cast %slice3A_204 : vector<32x128xi32> to vector<32x1x128xi32>
    %stack3A_221 = vector.shape_cast %slice3A_205 : vector<32x128xi32> to vector<32x1x128xi32>
    %stack3A_222 = vector.shape_cast %slice3A_206 : vector<32x128xi32> to vector<32x1x128xi32>
    %stack3A_223 = vector.shape_cast %slice3A_207 : vector<32x128xi32> to vector<32x1x128xi32>
    %stack3A_224 = vector.shape_cast %slice3A_208 : vector<32x128xi32> to vector<32x1x128xi32>
    %stack3A_225 = tpu.concatenate %stack3A_209, %stack3A_210, %stack3A_211, %stack3A_212, %stack3A_213, %stack3A_214, %stack3A_215, %stack3A_216, %stack3A_217, %stack3A_218, %stack3A_219, %stack3A_220, %stack3A_221, %stack3A_222, %stack3A_223, %stack3A_224 in 1 : vector<32x1x128xi32>, vector<32x1x128xi32>, vector<32x1x128xi32>, vector<32x1x128xi32>, vector<32x1x128xi32>, vector<32x1x128xi32>, vector<32x1x128xi32>, vector<32x1x128xi32>, vector<32x1x128xi32>, vector<32x1x128xi32>, vector<32x1x128xi32>, vector<32x1x128xi32>, vector<32x1x128xi32>, vector<32x1x128xi32>, vector<32x1x128xi32>, vector<32x1x128xi32> -> vector<32x16x128xi32>
    %swap3A_226 = arith.constant 0 : index
    %swap3A_227 = arith.constant 0 : index
    %swap3A_228 = arith.constant 0 : index
    %swap3A_229 = vector.load %arg8[%swap3A_226, %swap3A_227, %swap3A_228] : memref<32x16x128xi32, #tpu.memory_space<vmem>>, vector<32x16x128xi32>
    tpu.vector_store %arg8[%swap3A_226, %swap3A_227, %swap3A_228], %stack3A_225 {strides = array<i32>} : memref<32x16x128xi32, #tpu.memory_space<vmem>>, vector<32x16x128xi32>,
    return
  }
  func.func @transform_0(%arg0: i32) -> (i32, i32, i32) {
    %c0_i32 = arith.constant 0 : i32
    %c0_i32_0 = arith.constant 0 : i32
    %c0_i32_1 = arith.constant 0 : i32
    return %c0_i32, %c0_i32_0, %arg0 : i32, i32, i32
  }
  func.func @transform_1(%arg0: i32) -> (i32, i32) {
    %c0_i32 = arith.constant 0 : i32
    %c0_i32_0 = arith.constant 0 : i32
    return %c0_i32, %arg0 : i32, i32
  }
  func.func @transform_2(%arg0: i32) -> (i32, i32) {
    %c0_i32 = arith.constant 0 : i32
    %c0_i32_0 = arith.constant 0 : i32
    %c0_i32_1 = arith.constant 0 : i32
    return %c0_i32, %c0_i32_0 : i32, i32
  }
  func.func @transform_3(%arg0: i32) -> (i32, i32) {
    %c0_i32 = arith.constant 0 : i32
    %c0_i32_0 = arith.constant 0 : i32
    %c0_i32_1 = arith.constant 0 : i32
    return %c0_i32, %c0_i32_0 : i32, i32
  }
  func.func @transform_4(%arg0: i32) -> (i32, i32) {
    %c0_i32 = arith.constant 0 : i32
    %c0_i32_0 = arith.constant 0 : i32
    %c0_i32_1 = arith.constant 0 : i32
    return %c0_i32, %c0_i32_0 : i32, i32
  }
  func.func @transform_5(%arg0: i32) -> i32 {
    %c0_i32 = arith.constant 0 : i32
    %c0_i32_0 = arith.constant 0 : i32
    return %c0_i32 : i32
  }
  func.func @transform_6(%arg0: i32) -> (i32, i32, i32) {
    %c0_i32 = arith.constant 0 : i32
    %c0_i32_0 = arith.constant 0 : i32
    %c0_i32_1 = arith.constant 0 : i32
    return %c0_i32, %arg0, %c0_i32_0 : i32, i32, i32
  }
  func.func @transform_7(%arg0: i32) -> (i32, i32, i32) {
    %c0_i32 = arith.constant 0 : i32
    %c0_i32_0 = arith.constant 0 : i32
    %c0_i32_1 = arith.constant 0 : i32
    return %c0_i32, %arg0, %c0_i32_0 : i32, i32, i32
  }
}

module attributes {stable_mosaic.version = 14 : i64} {
  func.func @_finish_body(%arg0: i32, %arg1: memref<32x2048xf32, #tpu.memory_space<vmem>>, %arg2: memref<32x2048xf32, #tpu.memory_space<vmem>>, %arg3: memref<2048x128xf32, #tpu.memory_space<vmem>>, %arg4: memref<128x128xf32, #tpu.memory_space<vmem>>, %arg5: memref<2048x128xf32, #tpu.memory_space<vmem>>) attributes {dimension_semantics = [#tpu.dimension_semantics<arbitrary>], iteration_bounds = array<i64: 5>, scalar_prefetch = 0 : i64, scratch_operands = 0 : i64, tpu.core_type = #tpu.core_type<tc>, window_params = [{transform_indices = @transform_0, window_bounds = array<i64: 32, 2048>}, {transform_indices = @transform_1, window_bounds = array<i64: 32, 2048>}, {transform_indices = @transform_2, window_bounds = array<i64: 2048, 128>}, {pipeline_mode = #tpu.pipeline_mode<synchronous>, transform_indices = @transform_3, window_bounds = array<i64: 128, 128>}, {transform_indices = @transform_4, window_bounds = array<i64: 2048, 128>}]} {
    %get3A = arith.constant 0 : index
    %get3A_0 = arith.constant 0 : index
    %get3A_1 = vector.load %arg1[%get3A, %get3A_0] : memref<32x2048xf32, #tpu.memory_space<vmem>>, vector<32x2048xf32>
    %reduce_sum3A = arith.constant dense<0.000000e+00> : vector<2048xf32>
    %reduce_sum3A_2 = vector.multi_reduction <add>, %get3A_1, %reduce_sum3A [0] : vector<32x2048xf32> to vector<2048xf32>
    %get3A_3 = arith.constant 0 : index
    %get3A_4 = arith.constant 0 : index
    %get3A_5 = vector.load %arg2[%get3A_3, %get3A_4] : memref<32x2048xf32, #tpu.memory_space<vmem>>, vector<32x2048xf32>
    %reduce_sum3A_6 = arith.constant dense<0.000000e+00> : vector<2048xf32>
    %reduce_sum3A_7 = vector.multi_reduction <add>, %get3A_5, %reduce_sum3A_6 [0] : vector<32x2048xf32> to vector<2048xf32>
    %max3A = arith.constant 1.000000e+00 : f32
    %max3A_8 = vector.broadcast %max3A : f32 to vector<2048xf32>
    %max3A_9 = arith.maximumf %reduce_sum3A_7, %max3A_8 : vector<2048xf32>
    %div3A = arith.divf %reduce_sum3A_2, %max3A_9 : vector<2048xf32>
    %sqrt3A = arith.constant 1.280000e+02 : f32
    %sqrt3A_10 = math.sqrt %sqrt3A : f32
    %div3A_11 = arith.constant 1.000000e+00 : f32
    %div3A_12 = arith.divf %div3A_11, %sqrt3A_10 : f32
    %mul3A = vector.broadcast %div3A_12 : f32 to vector<2048xf32>
    %mul3A_13 = arith.mulf %div3A, %mul3A : vector<2048xf32>
    %get3A_14 = arith.constant 0 : index
    %get3A_15 = arith.constant 0 : index
    %get3A_16 = vector.load %arg3[%get3A_14, %get3A_15] : memref<2048x128xf32, #tpu.memory_space<vmem>>, vector<2048x128xf32>
    %get3A_17 = arith.constant 0 : index
    %get3A_18 = arith.constant 0 : index
    %get3A_19 = vector.load %arg4[%get3A_17, %get3A_18] : memref<128x128xf32, #tpu.memory_space<vmem>>, vector<128x128xf32>
    %dot_general3A = arith.constant dense<0.000000e+00> : vector<2048x128xf32>
    %dot_general3A_20 = tpu.matmul %get3A_16, %get3A_19, %dot_general3A {dimension_numbers = #tpu.dot_dimension_numbers<[1], [0], [0], [1], [0, 0, 1, 1], [], []>, transpose_lhs_hint = false} : vector<2048x128xf32>, vector<128x128xf32>, vector<2048x128xf32> -> vector<2048x128xf32>
    %broadcast_in_dim3A = vector.shape_cast %mul3A_13 : vector<2048xf32> to vector<2048x1xf32>
    %mul3A_21 = vector.broadcast %broadcast_in_dim3A : vector<2048x1xf32> to vector<2048x128xf32>
    %mul3A_22 = arith.mulf %dot_general3A_20, %mul3A_21 : vector<2048x128xf32>
    %swap3A = arith.constant 0 : index
    %swap3A_23 = arith.constant 0 : index
    %swap3A_24 = vector.load %arg5[%swap3A, %swap3A_23] : memref<2048x128xf32, #tpu.memory_space<vmem>>, vector<2048x128xf32>
    tpu.vector_store %arg5[%swap3A, %swap3A_23], %mul3A_22 {strides = array<i32>} : memref<2048x128xf32, #tpu.memory_space<vmem>>, vector<2048x128xf32>,
    return
  }
  func.func @transform_0(%arg0: i32) -> (i32, i32) {
    %c0_i32 = arith.constant 0 : i32
    %c0_i32_0 = arith.constant 0 : i32
    return %c0_i32, %arg0 : i32, i32
  }
  func.func @transform_1(%arg0: i32) -> (i32, i32) {
    %c0_i32 = arith.constant 0 : i32
    %c0_i32_0 = arith.constant 0 : i32
    return %c0_i32, %arg0 : i32, i32
  }
  func.func @transform_2(%arg0: i32) -> (i32, i32) {
    %c0_i32 = arith.constant 0 : i32
    %c0_i32_0 = arith.constant 0 : i32
    return %arg0, %c0_i32 : i32, i32
  }
  func.func @transform_3(%arg0: i32) -> (i32, i32) {
    %c0_i32 = arith.constant 0 : i32
    %c0_i32_0 = arith.constant 0 : i32
    %c0_i32_1 = arith.constant 0 : i32
    return %c0_i32, %c0_i32_0 : i32, i32
  }
  func.func @transform_4(%arg0: i32) -> (i32, i32) {
    %c0_i32 = arith.constant 0 : i32
    %c0_i32_0 = arith.constant 0 : i32
    return %arg0, %c0_i32 : i32, i32
  }
}

</mosaic_0001>

<sc_bundles>
// kernel: kernel.5.cloned.1.call-start
scs
__scs_entry_jumppad:
0x0: {  	(pc) =	sbr.rel $0x88, $3  }
0x1: {  	(tag) =	ssettag $0x0;
	lr =	simm.s32 $0x1  }
0x2: {  	[smem:$0x3F99] =	sst lr;
	_ =	strace $0xD0000000  }
0x3: {  	_ = 	snop  }
0x4: {  	_ = 	snop  }
0x5: {  	_ = 	snop  }
0x6: {  	_ = 	snop  }
0x7: {  	_ = 	snop  }
__scs_overlays_trampoline_lowered:
0x8: {  	[smem:$0x3FA8] =	sst s0  }
0x9: {  	[smem:$0x3FA9] =	sst s1  }
0xa: {  	[smem:$0x3FAA] =	sst s2  }
0xb: {  	[smem:$0x3FAB] =	sst s3  }
0xc: {  	[smem:$0x3FAC] =	sst s4  }
0xd: {  	[smem:$0x3FAD] =	sst s5  }
0xe: {  	[smem:$0x3FAE] =	sst s6  }
0xf: {  	[smem:$0x3FAF] =	sst s7  }
0x10: {  	[smem:$0x3FB0] =	sst s8  }
0x11: {  	[smem:$0x3FB1] =	sst s9;
	s0 =	simm.s32 @!p0 $0x0  }
0x12: {  	s1 =	sld [smem:$0x3F97];
	s0 =	simm.s32 @p0 $0x1  }
0x13: {  	[smem:$0x3FB2] =	sst s0;
	s0 =	simm.s32 @!p1 $0x0  }
0x14: {  	s2 =	sld [smem:$0x3F96];
	s0 =	simm.s32 @p1 $0x1  }
0x15: {  	[smem:$0x3FB3] =	sst s0;
	s0 =	simm.s32 @!p2 $0x0  }
0x16: {  	s3 =	sld [smem:$0x3FDB];
	s0 =	simm.s32 @p2 $0x1  }
0x17: {  	s4 =	simm.s32 $0x1BF5;
	[smem:$0x3FB5] =	sst s0  }
0x18: {  	s0 =	sld [smem:$0x3F98];
	_ =	swait.ge [sflag:s4], $0x0  }
0x19: {  	s7 =	sld [smem:$0x3F99]  }
0x1a: {  	s8 =	sadd.s32 $0xFFFFE003, lr  }
0x1b: {  	s9 =	sadd.s32 $0xFFFFFEF7, lr;
	s5 =	simm.s32 $0xFFFFFFFF;
	p2 =	slt.u32 s8, $0xFFFFF086  }
0x1c: {  	p1 =	slt.u32 s9, $0xF7A;
	s5 =	simm.s32 @!p2 $0x0  }
0x1d: {  	s5 =	simm.s32 @p1 $0x1;
	p0 =	seq.s32 s7, s2  }
0x1e: {  	s7 =	smul.u32 @!p0 $0xF7A, s2;
	p2 =	seq.s32 @!p0 s5, $0x0  }
0x1f: {  	s9 =	smul.u32 $0xF7A, s1;
	s8 =	simm.s32 @!p0 $0x1BF5;
	p2 =	por !p2, p0  }
0x20: {  	[sflag:s8] =	ssyncset.s32 @!p0 $0xFFFFF086;
	s6 =	sadd.s32 @!p0 s3, s7;
	s7 =	simm.s32 @!p0 $0x108  }
0x21: {  	s3 =	sadd.s32 s3, s9;
	s6 =	sadd.s32 @!p0 $0x88, s6;
	s7 =	simm.s32 @p2 $0x1082  }
0x22: {  	[simem:s7], [sflag:s8] =	dma.local @!p0 [hbm:s6], $0xF7A  }
0x23: {  	s9 =	sor.u32 $0xD0000000, s2;
	s6 =	simm.s32 $0x108;
	_ =	swait.ge @!p0 [sflag:s8], $0x0  }
0x24: {  	s3 =	sadd.s32 $0x88, s3;
	s6 =	simm.s32 @!p1 $0x1082;
	[sflag:s4] =	ssyncset.s32 $0xFFFFF086  }
0x25: {  	[simem:s6], [sflag:s4] =	dma.local [hbm:s3], $0xF7A  }
0x26: {  	[smem:$0x3F99] =	sst s1;
	(tag) =	ssettag s2;
	_ =	strace s9  }
0x27: {  	s1 =	sld [smem:$0x3FA9]  }
0x28: {  	s2 =	sld [smem:$0x3FAA]  }
0x29: {  	s4 =	sld [smem:$0x3FAC]  }
0x2a: {  	p0 =	seq.s32 s5, $0x0;
	s5 =	sld [smem:$0x3FAD]  }
0x2b: {  	s6 =	sld [smem:$0x3FAE]  }
0x2c: {  	s7 =	sld [smem:$0x3FAF]  }
0x2d: {  	s3 =	simm.s32 $0x108;
	s8 =	sld [smem:$0x3FB0]  }
0x2e: {  	s3 =	simm.s32 @!p0 $0x1082;
	s9 =	sld [smem:$0x3FB1]  }
0x2f: {  	lr =	sadd.s32 s0, s3;
	s0 =	sld [smem:$0x3FA8]  }
0x30: {  	s3 =	sld [smem:$0x3FAB]  }
0x31: {  	[smem:$0x3FB4] =	sst s10  }
0x32: {  	s10 =	sld [smem:$0x3FB2];
	_ =	sdelay $0x3  }
0x33: {  	p0 =	seq.s32 s10, $0x1;
	s10 =	sld [smem:$0x3FB4];
	_ =	sdelay $0x3  }
0x34: {  	[smem:$0x3FB4] =	sst s10  }
0x35: {  	s10 =	sld [smem:$0x3FB3];
	_ =	sdelay $0x3  }
0x36: {  	p1 =	seq.s32 s10, $0x1;
	s10 =	sld [smem:$0x3FB4];
	_ =	sdelay $0x3  }
0x37: {  	[smem:$0x3FB4] =	sst s10  }
0x38: {  	s10 =	sld [smem:$0x3FB5]  }
0x39: {  	_ = 	snop;
	(pc) =	sbr.ind lr, $3  }
0x3a: {  	_ = 	snop  }
0x3b: {  	_ = 	snop  }
0x3c: {  	p2 =	seq.s32 s10, $0x1;
	s10 =	sld [smem:$0x3FB4]  }
0x3d: {  	_ =	shalt  }
0x3e: {  	_ =	shalt  }
0x3f: {  	_ =	shalt  }
0x40: {  	_ =	shalt  }
0x41: {  	_ =	shalt  }
0x42: {  	_ =	shalt  }
0x43: {  	_ =	shalt  }
0x44: {  	_ =	shalt  }
0x45: {  	_ =	shalt  }
0x46: {  	_ =	shalt  }
0x47: {  	_ =	shalt  }
0x48: {  	_ =	shalt  }
0x49: {  	_ =	shalt  }
0x4a: {  	_ =	shalt  }
0x4b: {  	_ =	shalt  }
0x4c: {  	_ =	shalt  }
0x4d: {  	_ =	shalt  }
0x4e: {  	_ =	shalt  }
0x4f: {  	_ =	shalt  }
0x50: {  	_ =	shalt  }
0x51: {  	_ =	shalt  }
0x52: {  	_ =	shalt  }
0x53: {  	_ =	shalt  }
0x54: {  	_ =	shalt  }
0x55: {  	_ =	shalt  }
0x56: {  	_ =	shalt  }
0x57: {  	_ =	shalt  }
0x58: {  	_ =	shalt  }
0x59: {  	_ =	shalt  }
0x5a: {  	_ =	shalt  }
0x5b: {  	_ =	shalt  }
0x5c: {  	_ =	shalt  }
0x5d: {  	_ =	shalt  }
0x5e: {  	_ =	shalt  }
0x5f: {  	_ =	shalt  }
0x60: {  	_ =	shalt  }
0x61: {  	_ =	shalt  }
0x62: {  	_ =	shalt  }
0x63: {  	_ =	shalt  }
0x64: {  	_ =	shalt  }
0x65: {  	_ =	shalt  }
0x66: {  	_ =	shalt  }
0x67: {  	_ =	shalt  }
0x68: {  	_ =	shalt  }
0x69: {  	_ =	shalt  }
0x6a: {  	_ =	shalt  }
0x6b: {  	_ =	shalt  }
0x6c: {  	_ =	shalt  }
0x6d: {  	_ =	shalt  }
0x6e: {  	_ =	shalt  }
0x6f: {  	_ =	shalt  }
0x70: {  	_ =	shalt  }
0x71: {  	_ =	shalt  }
0x72: {  	_ =	shalt  }
0x73: {  	_ =	shalt  }
0x74: {  	_ =	shalt  }
0x75: {  	_ =	shalt  }
0x76: {  	_ =	shalt  }
0x77: {  	_ =	shalt  }
0x78: {  	_ =	shalt  }
0x79: {  	_ =	shalt  }
0x7a: {  	_ =	shalt  }
0x7b: {  	_ =	shalt  }
0x7c: {  	_ =	shalt  }
0x7d: {  	_ =	shalt  }
0x7e: {  	_ =	shalt  }
0x7f: {  	_ =	shalt  }
0x80: {  	_ =	shalt  }
0x81: {  	_ =	shalt  }
0x82: {  	_ =	shalt  }
0x83: {  	_ =	shalt  }
0x84: {  	_ =	shalt  }
0x85: {  	_ =	shalt  }
0x86: {  	_ =	shalt  }
0x87: {  	_ =	shalt  }
.Lfunc_end0:
.L_simem_size_0:
called_computation_lowered:
.L_overlay_start_0:
0x88: {  	s2 =	sld [smem:$0x3FD9]  }
0x89: {  	s3 =	sld [smem:$0x3FFE];
	_ =	sdelay $0x1  }
0x8a: {  	s1 =	srdreg.scid  }
0x8b: {  	s0 =	sand.u32 $0x1, s1  }
0x8c: {  	s17 =	sshll.u32 s0, $0xA;
	s2 =	sadd.s32 s3, s2  }
0x8d: {  	s2 =	sadd.s32 s2, s17  }
0x8e: {  	[smem:$0x3FC0] =	sst s2  }
0x8f: {  	_ = 	snop  }
0x90: {  	s2 =	sld [smem:$0x3FD0];
	(tm) =	ssettm $0x1  }
0x91: {  	s18 =	sld [smem:$0x3FFB];
	_ =	sdelay $0x3  }
0x92: {  	_ =	strace s18  }
0x93: {  	s3 =	sld [smem:$0x3FFC];
	_ =	sdelay $0x3  }
0x94: {  	_ =	strace s3  }
0x95: {  	s3 =	sld [smem:$0x3FFD];
	_ =	sdelay $0x3  }
0x96: {  	_ =	strace s3  }
0x97: {  	_ =	strace $0x8FFFFFFF  }
0x98: {  	s19 =	sld [smem:$0x3FDB];
	_ =	sdelay $0x1  }
0x99: {  	s4 =	simm.s32 $_scs_section_size  }
0x9a: {  	s5 =	simm.s32 $_size__tile_overlayer_lowered;
	s6 =	simm.s32 $_tile_overlayer_lowered  }
0x9b: {  	s22 =	simm.s32 $0x1BFF;
	s21 =	sshll.u32 s6, $0x1;
	s3 =	sadd.s32 s4, s19  }
0x9c: {  	s7 =	simm.s32 $0x0;
	s20 =	sshll.u32 s5, $0x1;
	s5 =	sadd.s32 s21, s3  }
0x9d: {  	[timem:s7], [sflag:s22] =	dma.local [hbm:s5], s20  }
0x9e: {  	_ =	swait.ge [sflag:s22], s20  }
0x9f: {  	s4 =	ssub.s32 $0x0, s20;
	[sflag:s22] =	ssyncset.done $0x0  }
0xa0: {  	[sflag:s22] =	ssyncadd.s32 s4;
	_ =	sdelay $0x1  }
0xa1: {  	s23 =	simm.s32 $0x1B8B  }
0xa2: {  	_ =	swait.ge [sflag:s23], $0x1  }
0xa3: {  	[sflag:s23] =	ssyncset.done $0x0  }
0xa4: {  	s25 =	simm.s32 $0x1B8E;
	s24 =	sld [smem:$0x3FFE];
	[sflag:s23] =	ssyncadd.s32 $0xFFFFFFFF  }
0xa5: {  	s26 =	simm.s32 $execute0_lowered;
	[smem:$0x3FD2] =	sst s25  }
0xa6: {  	s5 =	sshll.u32 s26, $0x1;
	_ =	strace $0x80000046;
	[dreg:$0x1] =	wrdreg $0xFFFFFFFF  }
0xa7: {  	s28 =	simm.s32 $_size_execute0_lowered;
	s3 =	sadd.s32 s3, s5;
	[dreg:$0x0] =	wrdreg $0x0  }
0xa8: {  	s5 =	sshll.u32 s28, $0x1;
	[dreg:$0x2] =	wrdreg s3  }
0xa9: {  	[dreg:$0x3] =	wrdreg s5  }
0xaa: {  	[dreg:$0x4] =	wrdreg $0xC0  }
0xab: {  	_ =	task [dreg:s7], $0x5FFFF  }
0xac: {  	[dreg:$0x1] =	wrdreg $0xFFFFFFFF  }
0xad: {  	[dreg:$0x0] =	wrdreg $0x60  }
0xae: {  	[dreg:$0x2] =	wrdreg s2  }
0xaf: {  	[dreg:$0x3] =	wrdreg s24  }
0xb0: {  	[dreg:$0x4] =	wrdreg $0x9  }
0xb1: {  	_ =	task.clear_ibuf [dreg:s7], $0x5FFFF;
	_ =	strace $0x90000046  }
0xb2: {  	s29 =	simm.s32 $0x9;
	_ =	strace $0x80000048  }
0xb3: {  	_ =	swait.ge [sflag:s29], $0x1  }
0xb4: {  	[sflag:s29] =	ssyncadd.s32 $0xFFFFFFFF  }
0xb5: {  	_ =	strace $0x90000048  }
0xb6: {  	_ =	sfence  }
0xb7: {  	s30 =	sld [smem:$0x0];
	_ =	sdelay $0x2  }
0xb8: {  	s31 =	sshll.u32 s1, $0xD;
	s1 =	sshrl.u32 s1, $0x2  }
0xb9: {  	s3 =	sand.u32 $0x4000, s31;
	s1 =	sadd.s32 s1, s30  }
0xba: {  	s0 =	sor.u32 s3, s0;
	s1 =	sshll.u32 s1, $0x11  }
0xbb: {  	s0 =	sor.u32 s1, s0  }
0xbc: {  	s0 =	sadd.s32 $0x8F2B, s0  }
0xbd: {  	[sflag:s0] =	ssyncadd.remote.s32 $0x1  }
0xbe: {  	_ =	sfence.sel $0xFFFF  }
0xbf: {  	[dreg:$0x0] =	wrdreg $0xFFFFFFFF;
	(pc) =	sbr.abs _section_cstart, $3  }
0xc0: {  	[dreg:$0x1] =	wrdreg $0xFFFFFFFF  }
0xc1: {  	_ =	task.clear_ibuf [dreg:s7], $0x2FFFF;
	_ =	strace $0x9FFFFFFF  }
0xc2: {  	(tm) =	ssettm $0x7FFFFFFF  }
0xc3: {  	_ =	shalt  }
tec
execute0_lowered:
.L_overlay_start_1:
0x0: {  	(tag) =	ssettag $0x1  }
0x1: {  	s3 =	rddreg [dreg:$0x0]  }
0x2: {  	s1 =	srdreg.scid;
	s0 =	stileid.u32  }
0x3: {  	s4 =	rddreg [dreg:$0x1];
	s10 =	simm.s32 $0x5000;
	s11 =	simm.s32 $0x7800  }
0x4: {  	s12 =	simm.s32 $0x80;
	s13 =	simm.s32 $0x400;
	s14 =	simm.s32 $0x0  }
0x5: {  	s18 =	simm.s32 $0x40;
	s5 =	sand.u32 $0x1, s1;
	s2 =	sshll.u32 s0, $0x1  }
0x6: {  	s1 =	rddreg [dreg:$0x2];
	s7 =	sshrl.u32 s0, $0x2;
	s6 =	sor.u32 s5, s2  }
0x7: {  	s2 =	simm.s32 $0x0;
	s7 =	smul.u32 $0x14000, s7;
	s8 =	sshll.u32 s6, $0x7  }
0x8: {  	s5 =	ssub.s32 $0x2, s5;
	s6 =	smul.u32 $0x500, s6;
	s8 =	sand.u32 $0x380, s8  }
0x9: {  	[smem:$0x7FF] =	sst s2;
	s31 =	sshrl.u32 s5, $0x1;
	s7 =	sor.u32 s7, s8  }
0xa: {  	_ =	strace $0x80000047;
	s9 =	sadd.s32 s6, s4;
	s7 =	sshrl.u32 s7, $0x3  }
0xb: {  	s8 =	ssub.s32 s5, s31;
	s3 =	sadd.s32 s3, s6;
	s7 =	sadd.s32 s7, s4  }
0xc: {  	s4 =	sadd.s32 $0x1E00, s9;
	s9 =	simm.s32 $0x2800;
	s5 =	sadd.s32 $0xBE00, s7  }
0xd: {  	v0 =	vimm.f32 $0.0e+00;
	v1 =	vimm.f32 $1.000000000e+00;
	s6 =	sadd.s32 $0x15E00, s7;
	s7 =	smax.u32 s8, $0x1;
	s8 =	simm.s32 $0x1  }
.LBB2_1:
0xe: {  	[tilespmem:s2], [sflag:$0x1] =	stream.linear.gather [hbm4b:s3+s2], $0x2800, $0x38;
	[tilespmem:$0xA000] =	vst v63  }
0xf: {  	_ =	swait.ge [sflag:s8], $0x2800  }
0x10: {  	[sflag:s8] =	ssyncset.done $0x0  }
0x11: {  	[sflag:s8] =	ssyncadd.s32 $0xFFFFD800  }
0x12: {  	[tilespmem:s9], [sflag:$0x1] =	stream.linear.gather [hbm4b:s4+s2], $0x2800, $0x38;
	[tilespmem:$0xA000] =	vst v63  }
0x13: {  	_ =	swait.ge [sflag:s8], $0x2800  }
0x14: {  	[sflag:s8] =	ssyncset.done $0x0  }
0x15: {  	s16 =	simm.s32 $0x5040;
	[sflag:s8] =	ssyncadd.s32 $0xFFFFD800  }
0x16: {  	[tilespmem:s16+$0x30] =	vst v0  }
0x17: {  	[tilespmem:s16+$0xFFFFFFF0] =	vst v0  }
0x18: {  	[tilespmem:s16+$0xFFFFFFC0] =	vst v0  }
0x19: {  	[tilespmem:s16+$0xFFFFFFE0] =	vst v0  }
0x1a: {  	[tilespmem:s16+$0x10] =	vst v0  }
0x1b: {  	[tilespmem:s16+$0x20] =	vst v0  }
0x1c: {  	[tilespmem:s16+$0x0] =	vst v0  }
0x1d: {  	s17 =	simm.s32 $0x7840;
	[tilespmem:s16+$0xFFFFFFD0] =	vst v0  }
0x1e: {  	[tilespmem:s17+$0xFFFFFFC0] =	vst v0  }
0x1f: {  	[tilespmem:s17+$0x30] =	vst v0  }
0x20: {  	[tilespmem:s17+$0x20] =	vst v0  }
0x21: {  	[tilespmem:s17+$0x10] =	vst v0  }
0x22: {  	[tilespmem:s17+$0xFFFFFFE0] =	vst v0  }
0x23: {  	[tilespmem:s17+$0x0] =	vst v0  }
0x24: {  	s19 =	simm.s32 $0x0;
	s15 =	simm.s32 $0x2840;
	[tilespmem:s17+$0xFFFFFFF0] =	vst v0  }
.LBB2_2:
0x25: {  	s19 =	sadd.s32 $0x8, s19;
	[tilespmem:s17+$0xFFFFFFD0] =	vst v0;
	s16 =	sadd.s32 $0x80, s16;
	s17 =	sadd.s32 $0x80, s17  }
0x26: {  	[tilespmem:s16+$0x30] =	vst v0;
	p0 =	slt.u32 s19, $0x278  }
0x27: {  	[tilespmem:s16+$0xFFFFFFF0] =	vst v0  }
0x28: {  	[tilespmem:s16+$0xFFFFFFC0] =	vst v0  }
0x29: {  	[tilespmem:s17+$0xFFFFFFC0] =	vst v0  }
0x2a: {  	[tilespmem:s17+$0x30] =	vst v0  }
0x2b: {  	[tilespmem:s16+$0xFFFFFFE0] =	vst v0  }
0x2c: {  	[tilespmem:s16+$0x10] =	vst v0  }
0x2d: {  	[tilespmem:s16+$0x20] =	vst v0  }
0x2e: {  	[tilespmem:s17+$0x20] =	vst v0  }
0x2f: {  	[tilespmem:s17+$0x10] =	vst v0  }
.Ltmp0:
0x30: {  	[tilespmem:s17+$0xFFFFFFE0] =	vst v0;
	(pc) =	sbr.rel @p0 .LBB2_2-.Ltmp0, $4  }
0x31: {  	[tilespmem:s16+$0x0] =	vst v0  }
0x32: {  	[tilespmem:s17+$0x0] =	vst v0  }
0x33: {  	[tilespmem:s17+$0xFFFFFFF0] =	vst v0  }
0x34: {  	[tilespmem:s16+$0xFFFFFFD0] =	vst v0  }
0x35: {  	[tilespmem:s17+$0xFFFFFFD0] =	vst v0  }
0x36: {  	v2 =	vld [tilespmem:s18+$0x30]  }
0x37: {  	v3 =	vld [tilespmem:s18+$0xFFFFFFD0]  }
0x38: {  	v4 =	vld [tilespmem:s18+$0xFFFFFFE0]  }
0x39: {  	v5 =	vld [tilespmem:s15+$0x30]  }
0x3a: {  	v6 =	vld [tilespmem:s18+$0xFFFFFFF0]  }
0x3b: {  	v7 =	vld [tilespmem:s18+$0x0]  }
0x3c: {  	v8 =	vld [tilespmem:s18+$0x10]  }
0x3d: {  	v9 =	vld [tilespmem:s18+$0x20]  }
0x3e: {  	v63 =	vld [tilespmem:s15+$0xFFFFFFC0]  }
0x3f: {  	v10 =	vld [tilespmem:s15+$0xFFFFFFD0]  }
0x40: {  	v11 =	vld [tilespmem:s15+$0xFFFFFFE0]  }
0x41: {  	v12 =	vld [tilespmem:s15+$0xFFFFFFF0]  }
0x42: {  	v13 =	vld [tilespmem:s15+$0x0]  }
0x43: {  	v14 =	vld [tilespmem:s15+$0x10]  }
0x44: {  	v15 =	vld [tilespmem:s15+$0x20]  }
0x45: {  	[tilespmem:v2+s10+$0x0] =	vst.idx.add.f32.msk $0xffff, v5  }
0x46: {  	[tilespmem:v3+s10+$0x0] =	vst.idx.add.f32.msk $0xffff, v10  }
0x47: {  	[tilespmem:v4+s10+$0x0] =	vst.idx.add.f32.msk $0xffff, v11  }
0x48: {  	[tilespmem:v6+s10+$0x0] =	vst.idx.add.f32.msk $0xffff, v12  }
0x49: {  	[tilespmem:v7+s10+$0x0] =	vst.idx.add.f32.msk $0xffff, v13  }
0x4a: {  	[tilespmem:v8+s10+$0x0] =	vst.idx.add.f32.msk $0xffff, v14  }
0x4b: {  	[tilespmem:v2+s11+$0x0] =	vst.idx.add.f32.msk $0xffff, v1  }
0x4c: {  	v2 =	vld [tilespmem:s18+$0xFFFFFFC0]  }
0x4d: {  	[tilespmem:v9+s10+$0x0] =	vst.idx.add.f32.msk $0xffff, v15  }
0x4e: {  	[tilespmem:v3+s11+$0x0] =	vst.idx.add.f32.msk $0xffff, v1  }
0x4f: {  	[tilespmem:v4+s11+$0x0] =	vst.idx.add.f32.msk $0xffff, v1  }
0x50: {  	[tilespmem:v6+s11+$0x0] =	vst.idx.add.f32.msk $0xffff, v1  }
0x51: {  	[tilespmem:v7+s11+$0x0] =	vst.idx.add.f32.msk $0xffff, v1  }
0x52: {  	[tilespmem:v8+s11+$0x0] =	vst.idx.add.f32.msk $0xffff, v1  }
0x53: {  	[tilespmem:v9+s11+$0x0] =	vst.idx.add.f32.msk $0xffff, v1  }
0x54: {  	[tilespmem:v2+s10+$0x0] =	vst.idx.add.f32.msk $0xffff, v63  }
0x55: {  	s16 =	simm.s32 $0x0;
	s17 =	simm.s32 $0xC0;
	[tilespmem:v2+s11+$0x0] =	vst.idx.add.f32.msk $0xffff, v1  }
.LBB2_4:
0x56: {  	v2 =	vld [tilespmem:s17+$0x30]  }
0x57: {  	s16 =	sadd.s32 $0x8, s16;
	v3 =	vld [tilespmem:s17+$0xFFFFFFD0]  }
0x58: {  	s15 =	sadd.s32 $0x80, s15;
	p0 =	slt.u32 s16, $0x278;
	v4 =	vld [tilespmem:s17+$0xFFFFFFE0]  }
0x59: {  	v5 =	vld [tilespmem:s15+$0x30]  }
0x5a: {  	v6 =	vld [tilespmem:s17+$0xFFFFFFF0]  }
0x5b: {  	v7 =	vld [tilespmem:s17+$0x0]  }
0x5c: {  	v8 =	vld [tilespmem:s17+$0x10]  }
0x5d: {  	v9 =	vld [tilespmem:s17+$0x20]  }
0x5e: {  	[tilespmem:v2+s10+$0x0] =	vst.idx.add.f32.msk $0xffff, v5  }
0x5f: {  	[tilespmem:v2+s11+$0x0] =	vst.idx.add.f32.msk $0xffff, v1  }
0x60: {  	v2 =	vld [tilespmem:s17+$0xFFFFFFC0]  }
0x61: {  	v5 =	vld [tilespmem:s15+$0xFFFFFFC0]  }
0x62: {  	v10 =	vld [tilespmem:s15+$0xFFFFFFD0]  }
0x63: {  	v11 =	vld [tilespmem:s15+$0xFFFFFFE0]  }
0x64: {  	v12 =	vld [tilespmem:s15+$0xFFFFFFF0]  }
0x65: {  	v13 =	vld [tilespmem:s15+$0x0]  }
0x66: {  	v14 =	vld [tilespmem:s15+$0x10]  }
0x67: {  	v15 =	vld [tilespmem:s15+$0x20]  }
0x68: {  	[tilespmem:v2+s10+$0x0] =	vst.idx.add.f32.msk $0xffff, v5  }
0x69: {  	[tilespmem:v2+s11+$0x0] =	vst.idx.add.f32.msk $0xffff, v1  }
0x6a: {  	[tilespmem:v3+s10+$0x0] =	vst.idx.add.f32.msk $0xffff, v10  }
0x6b: {  	[tilespmem:v3+s11+$0x0] =	vst.idx.add.f32.msk $0xffff, v1  }
0x6c: {  	[tilespmem:v4+s10+$0x0] =	vst.idx.add.f32.msk $0xffff, v11  }
0x6d: {  	[tilespmem:v4+s11+$0x0] =	vst.idx.add.f32.msk $0xffff, v1  }
0x6e: {  	[tilespmem:v6+s10+$0x0] =	vst.idx.add.f32.msk $0xffff, v12  }
0x6f: {  	[tilespmem:v6+s11+$0x0] =	vst.idx.add.f32.msk $0xffff, v1  }
0x70: {  	[tilespmem:v7+s10+$0x0] =	vst.idx.add.f32.msk $0xffff, v13  }
.Ltmp1:
0x71: {  	[tilespmem:v7+s11+$0x0] =	vst.idx.add.f32.msk $0xffff, v1;
	(pc) =	sbr.rel @p0 .LBB2_4-.Ltmp1, $4  }
0x72: {  	[tilespmem:v8+s10+$0x0] =	vst.idx.add.f32.msk $0xffff, v14  }
0x73: {  	[tilespmem:v8+s11+$0x0] =	vst.idx.add.f32.msk $0xffff, v1  }
0x74: {  	[tilespmem:v9+s10+$0x0] =	vst.idx.add.f32.msk $0xffff, v15  }
0x75: {  	s17 =	sadd.s32 $0x80, s17;
	[tilespmem:v9+s11+$0x0] =	vst.idx.add.f32.msk $0xffff, v1  }
0x76: {  	[hbm4b:s5+s12] =	stream.strided.scatter [tilespmem:s10], [sflag:$0x1], $0x2800, s13, s12, $0x38;
	[tilespmem:$0xA000] =	vst v63  }
0x77: {  	s14 =	sadd.s32 $0x1, s14;
	_ =	swait.ge [sflag:s8], $0x2800  }
0x78: {  	p0 =	sne.s32 s14, s7;
	[sflag:s8] =	ssyncset.done $0x0  }
.Ltmp2:
0x79: {  	[sflag:s8] =	ssyncadd.s32 $0xFFFFD800;
	(pc) =	sbr.rel @p0 .LBB2_1-.Ltmp2, $4  }
0x7a: {  	[hbm4b:s6+s12] =	stream.strided.scatter [tilespmem:s11], [sflag:$0x1], $0x2800, s13, s12, $0x38;
	[tilespmem:$0xA000] =	vst v63  }
0x7b: {  	_ =	swait.ge [sflag:s8], $0x2800  }
0x7c: {  	[sflag:s8] =	ssyncset.done $0x0  }
0x7d: {  	[sflag:s8] =	ssyncadd.s32 $0xFFFFD800  }
0x7e: {  	_ =	sfence.sel $0x180000  }
0x7f: {  	[bflag:$0x0] =	sbarrier.arrive $0xFFFF  }
0x80: {  	p0 =	sne.s32 s0, $0x0;
	_ =	strace $0x90000047  }
0x81: {  	s0 =	sadd.s32 @!p0 $0x100000, s1;
	[bflag:$0x2] =	sbarrier.arrive $0xFFFF  }
0x82: {  	[sflag:s0] =	ssyncadd.tile.s32 @!p0 $0x1;
	_ =	shalt  }
.Lfunc_end2:
_tile_overlayer_lowered:
.L_overlay_start_2:
0x83: {  	(tag) =	ssettag $0x2  }
0x84: {  	s0 =	rddreg [dreg:$0x0];
	s2 =	stileid.u32  }
0x85: {  	s1 =	rddreg [dreg:$0x1];
	p0 =	sne.s32 s2, $0x0  }
0x86: {  	s3 =	rddreg [dreg:$0x2];
	[bflag:$0x3] =	sbarrier.arrive $0xFFFF;
	s2 =	simm.s32 @!p0 $0x1C01  }
0x87: {  	[timem:s3], [sflag:s2] =	dma.local @!p0 [hbm:s0], s1  }
0x88: {  	s0 =	simm.s32 @!p0 $0x1  }
0x89: {  	_ =	swait.ge @!p0 [sflag:s0], s1  }
0x8a: {  	s1 =	ssub.s32 @!p0 $0x0, s1;
	[sflag:s0] =	ssyncset.done @!p0 $0x0  }
0x8b: {  	[sflag:s0] =	ssyncadd.s32 @!p0 s1  }
0x8c: {  	[bflag:$0x3] =	sbarrier.arrive $0xFFFF  }
0x8d: {  	_ =	shalt  }

</sc_bundles>
